<compile_context>
chip_gen: v7x
topology: tpu7x:2x2x1
jax: 0.10.2.dev20260603
libtpu: 0.0.44.dev20260713+nightly
codegen_flags: <defaults>
</compile_context>

<pallas_src>
import functools

import jax
import jax.numpy as jnp
from jax import lax
from jax.experimental import pallas as pl
from jax.experimental.pallas import tpu as pltpu
from jax.experimental.pallas import tpu_sc as plsc

VOCAB = 1000
EMBD = 32
DPAD = 128
BATCH = 1024
SEQ = 50

NUM_SC = 2
NUM_SUBCORES = 16
NW = NUM_SC * NUM_SUBCORES
B_PER_W = BATCH // NW
B_HALF = B_PER_W // 2

BB = 16


def _sc_gather(table_pad, idx):
  mesh = plsc.VectorSubcoreMesh(core_axis_name="c", subcore_axis_name="s")

  @functools.partial(
      pl.kernel,
      out_type=jax.ShapeDtypeStruct((BATCH, SEQ, DPAD), jnp.float32),
      mesh=mesh,
      scratch_types=[
          pltpu.VMEM((B_PER_W, SEQ), jnp.int32),
          pltpu.VMEM((B_HALF, SEQ, DPAD), jnp.float32),
          pltpu.SemaphoreType.DMA,
      ],
  )
  def gather_kernel(table_hbm, idx_hbm, out_hbm, idx_v, rows_v, sem):
    wid = lax.axis_index("s") * NUM_SC + lax.axis_index("c")
    base = wid * B_PER_W
    pltpu.sync_copy(idx_hbm.at[pl.ds(base, B_PER_W)], idx_v)
    for h in range(2):
      copies = [
          pltpu.async_copy(
              table_hbm.at[idx_v.at[h * B_HALF + j]],
              rows_v.at[j],
              sem,
          )
          for j in range(B_HALF)
      ]
      for c in copies:
        c.wait()
      pltpu.sync_copy(rows_v, out_hbm.at[pl.ds(base + h * B_HALF, B_HALF)])

  return gather_kernel(table_pad, idx)


def _tc_head(emb, pos_pad, w, bias):

  def head(emb_ref, pos_ref, w_ref, b_ref, out_ref):
    pos = pos_ref[...]
    w_v = w_ref[...]
    b_v = b_ref[...]
    for j in range(BB):
      x = emb_ref[j] + pos
      out_ref[j] = (
          jnp.dot(x, w_v, preferred_element_type=jnp.float32) + b_v
      )

  return pl.pallas_call(
      head,
      grid=(BATCH // BB,),
      in_specs=[
          pl.BlockSpec((BB, SEQ, DPAD), lambda i: (i, 0, 0)),
          pl.BlockSpec((SEQ, DPAD), lambda i: (0, 0)),
          pl.BlockSpec((DPAD, VOCAB), lambda i: (0, 0)),
          pl.BlockSpec((1, VOCAB), lambda i: (0, 0)),
      ],
      out_specs=pl.BlockSpec((BB, SEQ, VOCAB), lambda i: (i, 0, 0)),
      out_shape=jax.ShapeDtypeStruct((BATCH, SEQ, VOCAB), jnp.float32),
      compiler_params=pltpu.CompilerParams(
          dimension_semantics=("arbitrary",),
      ),
  )(emb, pos_pad, w, bias)


def kernel(idx, tok_table, pos_table, W, b):
  idx32 = idx.astype(jnp.int32)
  tok_pad = jnp.pad(tok_table, ((0, 0), (0, DPAD - EMBD)))
  emb = _sc_gather(tok_pad, idx32)
  pos_pad = jnp.pad(pos_table, ((0, 0), (0, DPAD - EMBD)))
  w_pad = jnp.pad(W, ((0, DPAD - EMBD), (0, 0)))
  return _tc_head(emb, pos_pad, w_pad, b.reshape(1, VOCAB))

# --- scband reference (transcript-rebuilt; emitter-appended) ---
"""Pipeline reference for scband-bigram-language-model-4904852652476 (READ-ONLY COPY).

The authoritative reference and input builder live on the scoring server;
editing this copy changes nothing except your own understanding.
"""

import jax, jax.numpy as jnp
import numpy as np

VOCAB_SIZE = 1000
N_EMBD = 32
BLOCK_SIZE = 50
BATCH = 1024
SEQ = 50


def setup_inputs(seed: int = 0) -> dict:
    key = jax.random.key(seed)
    k_idx, k_tok, k_pos, k_w = jax.random.split(key, 4)
    idx = jax.random.randint(k_idx, (BATCH, SEQ), 0, VOCAB_SIZE, dtype=jnp.int64 if jax.config.jax_enable_x64 else jnp.int32)
    tok_table = jax.random.normal(k_tok, (VOCAB_SIZE, N_EMBD), dtype=jnp.float32)
    pos_table = jax.random.normal(k_pos, (BLOCK_SIZE, N_EMBD), dtype=jnp.float32)
    W = jax.random.normal(k_w, (N_EMBD, VOCAB_SIZE), dtype=jnp.float32) * (1.0 / np.sqrt(N_EMBD))
    b = jnp.zeros((VOCAB_SIZE,), dtype=jnp.float32)
    return {"idx": idx, "tok_table": tok_table, "pos_table": pos_table, "W": W, "b": b}


def reference(idx, tok_table, pos_table, W, b):
    B, T = idx.shape
    # token embedding lookup (gather)
    tok_emb = jnp.take(tok_table, idx, axis=0)            # [B, T, n_embd]
    # position embedding lookup
    pos_emb = jnp.take(pos_table, jnp.arange(T), axis=0)  # [T, n_embd]
    # lm_head linear projection
    logits = jnp.dot(tok_emb + pos_emb[None, :, :], W) + b  # [B, T, vocab]
    # targets is None -> loss is None; return logits (the forward output)
    return logits

if __name__ == "__main__":
    import jax
    _d = setup_inputs()
    print(jax.jit(kernel)(*tuple(_d.values())))

</pallas_src>

<mosaic_0001>
#map = affine_map<(d0, d1) -> (0, 0)>
#map1 = affine_map<(d0, d1) -> (0, 0, 0)>
module attributes {stable_mosaic.version = 14 : i64} {
  func.func @gather_kernel(%arg0: i32, %arg1: i32, %arg2: memref<1000x128xf32, #tpu.memory_space<hbm>>, %arg3: memref<1024x50xi32, #tpu.memory_space<hbm>>, %arg4: memref<1024x50x128xf32, #tpu.memory_space<hbm>>, %arg5: memref<32x50xi32, #tpu.memory_space<vmem>>, %arg6: memref<16x50x128xf32, #tpu.memory_space<vmem>>, %arg7: memref<!tpu.dma_semaphore, #tpu.memory_space<semaphore_mem>>) attributes {dimension_semantics = [#tpu.dimension_semantics<core_parallel>, #tpu.dimension_semantics<subcore_parallel>], iteration_bounds = array<i64: 2, 16>, scalar_prefetch = 0 : i64, scratch_operands = 3 : i64, tpu.core_type = #tpu.core_type<sc_vector_subcore>, window_params = [{transform_indices = #map}, {transform_indices = #map}, {transform_indices = #map1}]} {
    %mul3A = arith.constant 2 : i32
    %mul3A_0 = arith.muli %arg1, %mul3A : i32
    %add3A = arith.addi %mul3A_0, %arg0 : i32
    %mul3A_1 = arith.constant 32 : i32
    %mul3A_2 = arith.muli %add3A, %mul3A_1 : i32
    "tpu.region"() ({
      %run_scoped3A = tpu.sem_alloc : memref<!tpu.dma_semaphore, #tpu.memory_space<semaphore_mem>>
      %dma_start3A_773 = arith.constant 0 : i32
      %dma_start3A_774 = tpu.memref_slice %arg3[%mul3A_2, %dma_start3A_773] : memref<1024x50xi32, #tpu.memory_space<hbm>> -> memref<32x50xi32, #tpu.memory_space<hbm>>
      %dma_start3A_775 = arith.constant 0 : i32
      %dma_start3A_776 = tpu.memref_slice %arg3[%mul3A_2, %dma_start3A_775] : memref<1024x50xi32, #tpu.memory_space<hbm>> -> memref<32x50xi32, #tpu.memory_space<hbm>>
      tpu.enqueue_dma source(%dma_start3A_776 : memref<32x50xi32, #tpu.memory_space<hbm>>) target(%arg5 : memref<32x50xi32, #tpu.memory_space<vmem>>) target_semaphore(%run_scoped3A : memref<!tpu.dma_semaphore, #tpu.memory_space<semaphore_mem>>)
      %dma_wait3A_777 = arith.constant 0 : i32
      %dma_wait3A_778 = tpu.memref_slice %arg3[%mul3A_2, %dma_wait3A_777] : memref<1024x50xi32, #tpu.memory_space<hbm>> -> memref<32x50xi32, #tpu.memory_space<hbm>>
      %dma_wait3A_779 = arith.constant 0 : i32
      %dma_wait3A_780 = tpu.memref_slice %arg3[%mul3A_2, %dma_wait3A_779] : memref<1024x50xi32, #tpu.memory_space<hbm>> -> memref<32x50xi32, #tpu.memory_space<hbm>>
      tpu.wait_dma2 semaphore(%run_scoped3A : memref<!tpu.dma_semaphore, #tpu.memory_space<semaphore_mem>>) src(%dma_wait3A_780 : memref<32x50xi32, #tpu.memory_space<hbm>>) dst(%arg5 : memref<32x50xi32, #tpu.memory_space<vmem>>)
      tpu.yield
    }) : () -> ()
    %dma_start3A = arith.constant 0 : i32
    %dma_start3A_3 = arith.constant 0 : i32
    %dma_start3A_4 = arith.constant 0 : i32
    %dma_start3A_5 = arith.constant 0 : i32
    %dma_start3A_6 = tpu.memref_slice %arg6[%dma_start3A_3, %dma_start3A_4, %dma_start3A_5] : memref<16x50x128xf32, #tpu.memory_space<vmem>> -> memref<1x50x128xf32, #tpu.memory_space<vmem>>
    %dma_start3A_7 = tpu.memref_squeeze %dma_start3A_6 : memref<1x50x128xf32, #tpu.memory_space<vmem>> -> memref<50x128xf32, #tpu.memory_space<vmem>>
    %dma_start3A_8 = arith.constant 0 : i32
    %dma_start3A_9 = tpu.memref_slice %arg5[%dma_start3A, %dma_start3A_8] : memref<32x50xi32, #tpu.memory_space<vmem>> -> memref<1x50xi32, #tpu.memory_space<vmem>>
    %dma_start3A_10 = tpu.memref_squeeze %dma_start3A_9 : memref<1x50xi32, #tpu.memory_space<vmem>> -> memref<50xi32, #tpu.memory_space<vmem>>
    %dma_start3A_11 = arith.constant 0 : i32
    %dma_start3A_12 = arith.constant 0 : i32
    %dma_start3A_13 = tpu.memref_slice %arg2[%dma_start3A_11, %dma_start3A_12] : memref<1000x128xf32, #tpu.memory_space<hbm>> -> memref<1000x128xf32, #tpu.memory_space<hbm>>
    tpu.enqueue_indirect_dma source(%dma_start3A_13 : memref<1000x128xf32, #tpu.memory_space<hbm>>) target(%dma_start3A_7 : memref<50x128xf32, #tpu.memory_space<vmem>>) offsets(%dma_start3A_10 : memref<50xi32, #tpu.memory_space<vmem>>) semaphore(%arg7 : memref<!tpu.dma_semaphore, #tpu.memory_space<semaphore_mem>>)
    %dma_start3A_14 = arith.constant 1 : i32
    %dma_start3A_15 = arith.constant 1 : i32
    %dma_start3A_16 = arith.constant 0 : i32
    %dma_start3A_17 = arith.constant 0 : i32
    %dma_start3A_18 = tpu.memref_slice %arg6[%dma_start3A_15, %dma_start3A_16, %dma_start3A_17] : memref<16x50x128xf32, #tpu.memory_space<vmem>> -> memref<1x50x128xf32, #tpu.memory_space<vmem>>
    %dma_start3A_19 = tpu.memref_squeeze %dma_start3A_18 : memref<1x50x128xf32, #tpu.memory_space<vmem>> -> memref<50x128xf32, #tpu.memory_space<vmem>>
    %dma_start3A_20 = arith.constant 0 : i32
    %dma_start3A_21 = tpu.memref_slice %arg5[%dma_start3A_14, %dma_start3A_20] : memref<32x50xi32, #tpu.memory_space<vmem>> -> memref<1x50xi32, #tpu.memory_space<vmem>>
    %dma_start3A_22 = tpu.memref_squeeze %dma_start3A_21 : memref<1x50xi32, #tpu.memory_space<vmem>> -> memref<50xi32, #tpu.memory_space<vmem>>
    %dma_start3A_23 = arith.constant 0 : i32
    %dma_start3A_24 = arith.constant 0 : i32
    %dma_start3A_25 = tpu.memref_slice %arg2[%dma_start3A_23, %dma_start3A_24] : memref<1000x128xf32, #tpu.memory_space<hbm>> -> memref<1000x128xf32, #tpu.memory_space<hbm>>
    tpu.enqueue_indirect_dma source(%dma_start3A_25 : memref<1000x128xf32, #tpu.memory_space<hbm>>) target(%dma_start3A_19 : memref<50x128xf32, #tpu.memory_space<vmem>>) offsets(%dma_start3A_22 : memref<50xi32, #tpu.memory_space<vmem>>) semaphore(%arg7 : memref<!tpu.dma_semaphore, #tpu.memory_space<semaphore_mem>>)
    %dma_start3A_26 = arith.constant 2 : i32
    %dma_start3A_27 = arith.constant 2 : i32
    %dma_start3A_28 = arith.constant 0 : i32
    %dma_start3A_29 = arith.constant 0 : i32
    %dma_start3A_30 = tpu.memref_slice %arg6[%dma_start3A_27, %dma_start3A_28, %dma_start3A_29] : memref<16x50x128xf32, #tpu.memory_space<vmem>> -> memref<1x50x128xf32, #tpu.memory_space<vmem>>
    %dma_start3A_31 = tpu.memref_squeeze %dma_start3A_30 : memref<1x50x128xf32, #tpu.memory_space<vmem>> -> memref<50x128xf32, #tpu.memory_space<vmem>>
    %dma_start3A_32 = arith.constant 0 : i32
    %dma_start3A_33 = tpu.memref_slice %arg5[%dma_start3A_26, %dma_start3A_32] : memref<32x50xi32, #tpu.memory_space<vmem>> -> memref<1x50xi32, #tpu.memory_space<vmem>>
    %dma_start3A_34 = tpu.memref_squeeze %dma_start3A_33 : memref<1x50xi32, #tpu.memory_space<vmem>> -> memref<50xi32, #tpu.memory_space<vmem>>
    %dma_start3A_35 = arith.constant 0 : i32
    %dma_start3A_36 = arith.constant 0 : i32
    %dma_start3A_37 = tpu.memref_slice %arg2[%dma_start3A_35, %dma_start3A_36] : memref<1000x128xf32, #tpu.memory_space<hbm>> -> memref<1000x128xf32, #tpu.memory_space<hbm>>
    tpu.enqueue_indirect_dma source(%dma_start3A_37 : memref<1000x128xf32, #tpu.memory_space<hbm>>) target(%dma_start3A_31 : memref<50x128xf32, #tpu.memory_space<vmem>>) offsets(%dma_start3A_34 : memref<50xi32, #tpu.memory_space<vmem>>) semaphore(%arg7 : memref<!tpu.dma_semaphore, #tpu.memory_space<semaphore_mem>>)
    %dma_start3A_38 = arith.constant 3 : i32
    %dma_start3A_39 = arith.constant 3 : i32
    %dma_start3A_40 = arith.constant 0 : i32
    %dma_start3A_41 = arith.constant 0 : i32
    %dma_start3A_42 = tpu.memref_slice %arg6[%dma_start3A_39, %dma_start3A_40, %dma_start3A_41] : memref<16x50x128xf32, #tpu.memory_space<vmem>> -> memref<1x50x128xf32, #tpu.memory_space<vmem>>
    %dma_start3A_43 = tpu.memref_squeeze %dma_start3A_42 : memref<1x50x128xf32, #tpu.memory_space<vmem>> -> memref<50x128xf32, #tpu.memory_space<vmem>>
    %dma_start3A_44 = arith.constant 0 : i32
    %dma_start3A_45 = tpu.memref_slice %arg5[%dma_start3A_38, %dma_start3A_44] : memref<32x50xi32, #tpu.memory_space<vmem>> -> memref<1x50xi32, #tpu.memory_space<vmem>>
    %dma_start3A_46 = tpu.memref_squeeze %dma_start3A_45 : memref<1x50xi32, #tpu.memory_space<vmem>> -> memref<50xi32, #tpu.memory_space<vmem>>
    %dma_start3A_47 = arith.constant 0 : i32
    %dma_start3A_48 = arith.constant 0 : i32
    %dma_start3A_49 = tpu.memref_slice %arg2[%dma_start3A_47, %dma_start3A_48] : memref<1000x128xf32, #tpu.memory_space<hbm>> -> memref<1000x128xf32, #tpu.memory_space<hbm>>
    tpu.enqueue_indirect_dma source(%dma_start3A_49 : memref<1000x128xf32, #tpu.memory_space<hbm>>) target(%dma_start3A_43 : memref<50x128xf32, #tpu.memory_space<vmem>>) offsets(%dma_start3A_46 : memref<50xi32, #tpu.memory_space<vmem>>) semaphore(%arg7 : memref<!tpu.dma_semaphore, #tpu.memory_space<semaphore_mem>>)
    %dma_start3A_50 = arith.constant 4 : i32
    %dma_start3A_51 = arith.constant 4 : i32
    %dma_start3A_52 = arith.constant 0 : i32
    %dma_start3A_53 = arith.constant 0 : i32
    %dma_start3A_54 = tpu.memref_slice %arg6[%dma_start3A_51, %dma_start3A_52, %dma_start3A_53] : memref<16x50x128xf32, #tpu.memory_space<vmem>> -> memref<1x50x128xf32, #tpu.memory_space<vmem>>
    %dma_start3A_55 = tpu.memref_squeeze %dma_start3A_54 : memref<1x50x128xf32, #tpu.memory_space<vmem>> -> memref<50x128xf32, #tpu.memory_space<vmem>>
    %dma_start3A_56 = arith.constant 0 : i32
    %dma_start3A_57 = tpu.memref_slice %arg5[%dma_start3A_50, %dma_start3A_56] : memref<32x50xi32, #tpu.memory_space<vmem>> -> memref<1x50xi32, #tpu.memory_space<vmem>>
    %dma_start3A_58 = tpu.memref_squeeze %dma_start3A_57 : memref<1x50xi32, #tpu.memory_space<vmem>> -> memref<50xi32, #tpu.memory_space<vmem>>
    %dma_start3A_59 = arith.constant 0 : i32
    %dma_start3A_60 = arith.constant 0 : i32
    %dma_start3A_61 = tpu.memref_slice %arg2[%dma_start3A_59, %dma_start3A_60] : memref<1000x128xf32, #tpu.memory_space<hbm>> -> memref<1000x128xf32, #tpu.memory_space<hbm>>
    tpu.enqueue_indirect_dma source(%dma_start3A_61 : memref<1000x128xf32, #tpu.memory_space<hbm>>) target(%dma_start3A_55 : memref<50x128xf32, #tpu.memory_space<vmem>>) offsets(%dma_start3A_58 : memref<50xi32, #tpu.memory_space<vmem>>) semaphore(%arg7 : memref<!tpu.dma_semaphore, #tpu.memory_space<semaphore_mem>>)
    %dma_start3A_62 = arith.constant 5 : i32
    %dma_start3A_63 = arith.constant 5 : i32
    %dma_start3A_64 = arith.constant 0 : i32
    %dma_start3A_65 = arith.constant 0 : i32
    %dma_start3A_66 = tpu.memref_slice %arg6[%dma_start3A_63, %dma_start3A_64, %dma_start3A_65] : memref<16x50x128xf32, #tpu.memory_space<vmem>> -> memref<1x50x128xf32, #tpu.memory_space<vmem>>
    %dma_start3A_67 = tpu.memref_squeeze %dma_start3A_66 : memref<1x50x128xf32, #tpu.memory_space<vmem>> -> memref<50x128xf32, #tpu.memory_space<vmem>>
    %dma_start3A_68 = arith.constant 0 : i32
    %dma_start3A_69 = tpu.memref_slice %arg5[%dma_start3A_62, %dma_start3A_68] : memref<32x50xi32, #tpu.memory_space<vmem>> -> memref<1x50xi32, #tpu.memory_space<vmem>>
    %dma_start3A_70 = tpu.memref_squeeze %dma_start3A_69 : memref<1x50xi32, #tpu.memory_space<vmem>> -> memref<50xi32, #tpu.memory_space<vmem>>
    %dma_start3A_71 = arith.constant 0 : i32
    %dma_start3A_72 = arith.constant 0 : i32
    %dma_start3A_73 = tpu.memref_slice %arg2[%dma_start3A_71, %dma_start3A_72] : memref<1000x128xf32, #tpu.memory_space<hbm>> -> memref<1000x128xf32, #tpu.memory_space<hbm>>
    tpu.enqueue_indirect_dma source(%dma_start3A_73 : memref<1000x128xf32, #tpu.memory_space<hbm>>) target(%dma_start3A_67 : memref<50x128xf32, #tpu.memory_space<vmem>>) offsets(%dma_start3A_70 : memref<50xi32, #tpu.memory_space<vmem>>) semaphore(%arg7 : memref<!tpu.dma_semaphore, #tpu.memory_space<semaphore_mem>>)
    %dma_start3A_74 = arith.constant 6 : i32
    %dma_start3A_75 = arith.constant 6 : i32
    %dma_start3A_76 = arith.constant 0 : i32
    %dma_start3A_77 = arith.constant 0 : i32
    %dma_start3A_78 = tpu.memref_slice %arg6[%dma_start3A_75, %dma_start3A_76, %dma_start3A_77] : memref<16x50x128xf32, #tpu.memory_space<vmem>> -> memref<1x50x128xf32, #tpu.memory_space<vmem>>
    %dma_start3A_79 = tpu.memref_squeeze %dma_start3A_78 : memref<1x50x128xf32, #tpu.memory_space<vmem>> -> memref<50x128xf32, #tpu.memory_space<vmem>>
    %dma_start3A_80 = arith.constant 0 : i32
    %dma_start3A_81 = tpu.memref_slice %arg5[%dma_start3A_74, %dma_start3A_80] : memref<32x50xi32, #tpu.memory_space<vmem>> -> memref<1x50xi32, #tpu.memory_space<vmem>>
    %dma_start3A_82 = tpu.memref_squeeze %dma_start3A_81 : memref<1x50xi32, #tpu.memory_space<vmem>> -> memref<50xi32, #tpu.memory_space<vmem>>
    %dma_start3A_83 = arith.constant 0 : i32
    %dma_start3A_84 = arith.constant 0 : i32
    %dma_start3A_85 = tpu.memref_slice %arg2[%dma_start3A_83, %dma_start3A_84] : memref<1000x128xf32, #tpu.memory_space<hbm>> -> memref<1000x128xf32, #tpu.memory_space<hbm>>
    tpu.enqueue_indirect_dma source(%dma_start3A_85 : memref<1000x128xf32, #tpu.memory_space<hbm>>) target(%dma_start3A_79 : memref<50x128xf32, #tpu.memory_space<vmem>>) offsets(%dma_start3A_82 : memref<50xi32, #tpu.memory_space<vmem>>) semaphore(%arg7 : memref<!tpu.dma_semaphore, #tpu.memory_space<semaphore_mem>>)
    %dma_start3A_86 = arith.constant 7 : i32
    %dma_start3A_87 = arith.constant 7 : i32
    %dma_start3A_88 = arith.constant 0 : i32
    %dma_start3A_89 = arith.constant 0 : i32
    %dma_start3A_90 = tpu.memref_slice %arg6[%dma_start3A_87, %dma_start3A_88, %dma_start3A_89] : memref<16x50x128xf32, #tpu.memory_space<vmem>> -> memref<1x50x128xf32, #tpu.memory_space<vmem>>
    %dma_start3A_91 = tpu.memref_squeeze %dma_start3A_90 : memref<1x50x128xf32, #tpu.memory_space<vmem>> -> memref<50x128xf32, #tpu.memory_space<vmem>>
    %dma_start3A_92 = arith.constant 0 : i32
    %dma_start3A_93 = tpu.memref_slice %arg5[%dma_start3A_86, %dma_start3A_92] : memref<32x50xi32, #tpu.memory_space<vmem>> -> memref<1x50xi32, #tpu.memory_space<vmem>>
    %dma_start3A_94 = tpu.memref_squeeze %dma_start3A_93 : memref<1x50xi32, #tpu.memory_space<vmem>> -> memref<50xi32, #tpu.memory_space<vmem>>
    %dma_start3A_95 = arith.constant 0 : i32
    %dma_start3A_96 = arith.constant 0 : i32
    %dma_start3A_97 = tpu.memref_slice %arg2[%dma_start3A_95, %dma_start3A_96] : memref<1000x128xf32, #tpu.memory_space<hbm>> -> memref<1000x128xf32, #tpu.memory_space<hbm>>
    tpu.enqueue_indirect_dma source(%dma_start3A_97 : memref<1000x128xf32, #tpu.memory_space<hbm>>) target(%dma_start3A_91 : memref<50x128xf32, #tpu.memory_space<vmem>>) offsets(%dma_start3A_94 : memref<50xi32, #tpu.memory_space<vmem>>) semaphore(%arg7 : memref<!tpu.dma_semaphore, #tpu.memory_space<semaphore_mem>>)
    %dma_start3A_98 = arith.constant 8 : i32
    %dma_start3A_99 = arith.constant 8 : i32
    %dma_start3A_100 = arith.constant 0 : i32
    %dma_start3A_101 = arith.constant 0 : i32
    %dma_start3A_102 = tpu.memref_slice %arg6[%dma_start3A_99, %dma_start3A_100, %dma_start3A_101] : memref<16x50x128xf32, #tpu.memory_space<vmem>> -> memref<1x50x128xf32, #tpu.memory_space<vmem>>
    %dma_start3A_103 = tpu.memref_squeeze %dma_start3A_102 : memref<1x50x128xf32, #tpu.memory_space<vmem>> -> memref<50x128xf32, #tpu.memory_space<vmem>>
    %dma_start3A_104 = arith.constant 0 : i32
    %dma_start3A_105 = tpu.memref_slice %arg5[%dma_start3A_98, %dma_start3A_104] : memref<32x50xi32, #tpu.memory_space<vmem>> -> memref<1x50xi32, #tpu.memory_space<vmem>>
    %dma_start3A_106 = tpu.memref_squeeze %dma_start3A_105 : memref<1x50xi32, #tpu.memory_space<vmem>> -> memref<50xi32, #tpu.memory_space<vmem>>
    %dma_start3A_107 = arith.constant 0 : i32
    %dma_start3A_108 = arith.constant 0 : i32
    %dma_start3A_109 = tpu.memref_slice %arg2[%dma_start3A_107, %dma_start3A_108] : memref<1000x128xf32, #tpu.memory_space<hbm>> -> memref<1000x128xf32, #tpu.memory_space<hbm>>
    tpu.enqueue_indirect_dma source(%dma_start3A_109 : memref<1000x128xf32, #tpu.memory_space<hbm>>) target(%dma_start3A_103 : memref<50x128xf32, #tpu.memory_space<vmem>>) offsets(%dma_start3A_106 : memref<50xi32, #tpu.memory_space<vmem>>) semaphore(%arg7 : memref<!tpu.dma_semaphore, #tpu.memory_space<semaphore_mem>>)
    %dma_start3A_110 = arith.constant 9 : i32
    %dma_start3A_111 = arith.constant 9 : i32
    %dma_start3A_112 = arith.constant 0 : i32
    %dma_start3A_113 = arith.constant 0 : i32
    %dma_start3A_114 = tpu.memref_slice %arg6[%dma_start3A_111, %dma_start3A_112, %dma_start3A_113] : memref<16x50x128xf32, #tpu.memory_space<vmem>> -> memref<1x50x128xf32, #tpu.memory_space<vmem>>
    %dma_start3A_115 = tpu.memref_squeeze %dma_start3A_114 : memref<1x50x128xf32, #tpu.memory_space<vmem>> -> memref<50x128xf32, #tpu.memory_space<vmem>>
    %dma_start3A_116 = arith.constant 0 : i32
    %dma_start3A_117 = tpu.memref_slice %arg5[%dma_start3A_110, %dma_start3A_116] : memref<32x50xi32, #tpu.memory_space<vmem>> -> memref<1x50xi32, #tpu.memory_space<vmem>>
    %dma_start3A_118 = tpu.memref_squeeze %dma_start3A_117 : memref<1x50xi32, #tpu.memory_space<vmem>> -> memref<50xi32, #tpu.memory_space<vmem>>
    %dma_start3A_119 = arith.constant 0 : i32
    %dma_start3A_120 = arith.constant 0 : i32
    %dma_start3A_121 = tpu.memref_slice %arg2[%dma_start3A_119, %dma_start3A_120] : memref<1000x128xf32, #tpu.memory_space<hbm>> -> memref<1000x128xf32, #tpu.memory_space<hbm>>
    tpu.enqueue_indirect_dma source(%dma_start3A_121 : memref<1000x128xf32, #tpu.memory_space<hbm>>) target(%dma_start3A_115 : memref<50x128xf32, #tpu.memory_space<vmem>>) offsets(%dma_start3A_118 : memref<50xi32, #tpu.memory_space<vmem>>) semaphore(%arg7 : memref<!tpu.dma_semaphore, #tpu.memory_space<semaphore_mem>>)
    %dma_start3A_122 = arith.constant 10 : i32
    %dma_start3A_123 = arith.constant 10 : i32
    %dma_start3A_124 = arith.constant 0 : i32
    %dma_start3A_125 = arith.constant 0 : i32
    %dma_start3A_126 = tpu.memref_slice %arg6[%dma_start3A_123, %dma_start3A_124, %dma_start3A_125] : memref<16x50x128xf32, #tpu.memory_space<vmem>> -> memref<1x50x128xf32, #tpu.memory_space<vmem>>
    %dma_start3A_127 = tpu.memref_squeeze %dma_start3A_126 : memref<1x50x128xf32, #tpu.memory_space<vmem>> -> memref<50x128xf32, #tpu.memory_space<vmem>>
    %dma_start3A_128 = arith.constant 0 : i32
    %dma_start3A_129 = tpu.memref_slice %arg5[%dma_start3A_122, %dma_start3A_128] : memref<32x50xi32, #tpu.memory_space<vmem>> -> memref<1x50xi32, #tpu.memory_space<vmem>>
    %dma_start3A_130 = tpu.memref_squeeze %dma_start3A_129 : memref<1x50xi32, #tpu.memory_space<vmem>> -> memref<50xi32, #tpu.memory_space<vmem>>
    %dma_start3A_131 = arith.constant 0 : i32
    %dma_start3A_132 = arith.constant 0 : i32
    %dma_start3A_133 = tpu.memref_slice %arg2[%dma_start3A_131, %dma_start3A_132] : memref<1000x128xf32, #tpu.memory_space<hbm>> -> memref<1000x128xf32, #tpu.memory_space<hbm>>
    tpu.enqueue_indirect_dma source(%dma_start3A_133 : memref<1000x128xf32, #tpu.memory_space<hbm>>) target(%dma_start3A_127 : memref<50x128xf32, #tpu.memory_space<vmem>>) offsets(%dma_start3A_130 : memref<50xi32, #tpu.memory_space<vmem>>) semaphore(%arg7 : memref<!tpu.dma_semaphore, #tpu.memory_space<semaphore_mem>>)
    %dma_start3A_134 = arith.constant 11 : i32
    %dma_start3A_135 = arith.constant 11 : i32
    %dma_start3A_136 = arith.constant 0 : i32
    %dma_start3A_137 = arith.constant 0 : i32
    %dma_start3A_138 = tpu.memref_slice %arg6[%dma_start3A_135, %dma_start3A_136, %dma_start3A_137] : memref<16x50x128xf32, #tpu.memory_space<vmem>> -> memref<1x50x128xf32, #tpu.memory_space<vmem>>
    %dma_start3A_139 = tpu.memref_squeeze %dma_start3A_138 : memref<1x50x128xf32, #tpu.memory_space<vmem>> -> memref<50x128xf32, #tpu.memory_space<vmem>>
    %dma_start3A_140 = arith.constant 0 : i32
    %dma_start3A_141 = tpu.memref_slice %arg5[%dma_start3A_134, %dma_start3A_140] : memref<32x50xi32, #tpu.memory_space<vmem>> -> memref<1x50xi32, #tpu.memory_space<vmem>>
    %dma_start3A_142 = tpu.memref_squeeze %dma_start3A_141 : memref<1x50xi32, #tpu.memory_space<vmem>> -> memref<50xi32, #tpu.memory_space<vmem>>
    %dma_start3A_143 = arith.constant 0 : i32
    %dma_start3A_144 = arith.constant 0 : i32
    %dma_start3A_145 = tpu.memref_slice %arg2[%dma_start3A_143, %dma_start3A_144] : memref<1000x128xf32, #tpu.memory_space<hbm>> -> memref<1000x128xf32, #tpu.memory_space<hbm>>
    tpu.enqueue_indirect_dma source(%dma_start3A_145 : memref<1000x128xf32, #tpu.memory_space<hbm>>) target(%dma_start3A_139 : memref<50x128xf32, #tpu.memory_space<vmem>>) offsets(%dma_start3A_142 : memref<50xi32, #tpu.memory_space<vmem>>) semaphore(%arg7 : memref<!tpu.dma_semaphore, #tpu.memory_space<semaphore_mem>>)
    %dma_start3A_146 = arith.constant 12 : i32
    %dma_start3A_147 = arith.constant 12 : i32
    %dma_start3A_148 = arith.constant 0 : i32
    %dma_start3A_149 = arith.constant 0 : i32
    %dma_start3A_150 = tpu.memref_slice %arg6[%dma_start3A_147, %dma_start3A_148, %dma_start3A_149] : memref<16x50x128xf32, #tpu.memory_space<vmem>> -> memref<1x50x128xf32, #tpu.memory_space<vmem>>
    %dma_start3A_151 = tpu.memref_squeeze %dma_start3A_150 : memref<1x50x128xf32, #tpu.memory_space<vmem>> -> memref<50x128xf32, #tpu.memory_space<vmem>>
    %dma_start3A_152 = arith.constant 0 : i32
    %dma_start3A_153 = tpu.memref_slice %arg5[%dma_start3A_146, %dma_start3A_152] : memref<32x50xi32, #tpu.memory_space<vmem>> -> memref<1x50xi32, #tpu.memory_space<vmem>>
    %dma_start3A_154 = tpu.memref_squeeze %dma_start3A_153 : memref<1x50xi32, #tpu.memory_space<vmem>> -> memref<50xi32, #tpu.memory_space<vmem>>
    %dma_start3A_155 = arith.constant 0 : i32
    %dma_start3A_156 = arith.constant 0 : i32
    %dma_start3A_157 = tpu.memref_slice %arg2[%dma_start3A_155, %dma_start3A_156] : memref<1000x128xf32, #tpu.memory_space<hbm>> -> memref<1000x128xf32, #tpu.memory_space<hbm>>
    tpu.enqueue_indirect_dma source(%dma_start3A_157 : memref<1000x128xf32, #tpu.memory_space<hbm>>) target(%dma_start3A_151 : memref<50x128xf32, #tpu.memory_space<vmem>>) offsets(%dma_start3A_154 : memref<50xi32, #tpu.memory_space<vmem>>) semaphore(%arg7 : memref<!tpu.dma_semaphore, #tpu.memory_space<semaphore_mem>>)
    %dma_start3A_158 = arith.constant 13 : i32
    %dma_start3A_159 = arith.constant 13 : i32
    %dma_start3A_160 = arith.constant 0 : i32
    %dma_start3A_161 = arith.constant 0 : i32
    %dma_start3A_162 = tpu.memref_slice %arg6[%dma_start3A_159, %dma_start3A_160, %dma_start3A_161] : memref<16x50x128xf32, #tpu.memory_space<vmem>> -> memref<1x50x128xf32, #tpu.memory_space<vmem>>
    %dma_start3A_163 = tpu.memref_squeeze %dma_start3A_162 : memref<1x50x128xf32, #tpu.memory_space<vmem>> -> memref<50x128xf32, #tpu.memory_space<vmem>>
    %dma_start3A_164 = arith.constant 0 : i32
    %dma_start3A_165 = tpu.memref_slice %arg5[%dma_start3A_158, %dma_start3A_164] : memref<32x50xi32, #tpu.memory_space<vmem>> -> memref<1x50xi32, #tpu.memory_space<vmem>>
    %dma_start3A_166 = tpu.memref_squeeze %dma_start3A_165 : memref<1x50xi32, #tpu.memory_space<vmem>> -> memref<50xi32, #tpu.memory_space<vmem>>
    %dma_start3A_167 = arith.constant 0 : i32
    %dma_start3A_168 = arith.constant 0 : i32
    %dma_start3A_169 = tpu.memref_slice %arg2[%dma_start3A_167, %dma_start3A_168] : memref<1000x128xf32, #tpu.memory_space<hbm>> -> memref<1000x128xf32, #tpu.memory_space<hbm>>
    tpu.enqueue_indirect_dma source(%dma_start3A_169 : memref<1000x128xf32, #tpu.memory_space<hbm>>) target(%dma_start3A_163 : memref<50x128xf32, #tpu.memory_space<vmem>>) offsets(%dma_start3A_166 : memref<50xi32, #tpu.memory_space<vmem>>) semaphore(%arg7 : memref<!tpu.dma_semaphore, #tpu.memory_space<semaphore_mem>>)
    %dma_start3A_170 = arith.constant 14 : i32
    %dma_start3A_171 = arith.constant 14 : i32
    %dma_start3A_172 = arith.constant 0 : i32
    %dma_start3A_173 = arith.constant 0 : i32
    %dma_start3A_174 = tpu.memref_slice %arg6[%dma_start3A_171, %dma_start3A_172, %dma_start3A_173] : memref<16x50x128xf32, #tpu.memory_space<vmem>> -> memref<1x50x128xf32, #tpu.memory_space<vmem>>
    %dma_start3A_175 = tpu.memref_squeeze %dma_start3A_174 : memref<1x50x128xf32, #tpu.memory_space<vmem>> -> memref<50x128xf32, #tpu.memory_space<vmem>>
    %dma_start3A_176 = arith.constant 0 : i32
    %dma_start3A_177 = tpu.memref_slice %arg5[%dma_start3A_170, %dma_start3A_176] : memref<32x50xi32, #tpu.memory_space<vmem>> -> memref<1x50xi32, #tpu.memory_space<vmem>>
    %dma_start3A_178 = tpu.memref_squeeze %dma_start3A_177 : memref<1x50xi32, #tpu.memory_space<vmem>> -> memref<50xi32, #tpu.memory_space<vmem>>
    %dma_start3A_179 = arith.constant 0 : i32
    %dma_start3A_180 = arith.constant 0 : i32
    %dma_start3A_181 = tpu.memref_slice %arg2[%dma_start3A_179, %dma_start3A_180] : memref<1000x128xf32, #tpu.memory_space<hbm>> -> memref<1000x128xf32, #tpu.memory_space<hbm>>
    tpu.enqueue_indirect_dma source(%dma_start3A_181 : memref<1000x128xf32, #tpu.memory_space<hbm>>) target(%dma_start3A_175 : memref<50x128xf32, #tpu.memory_space<vmem>>) offsets(%dma_start3A_178 : memref<50xi32, #tpu.memory_space<vmem>>) semaphore(%arg7 : memref<!tpu.dma_semaphore, #tpu.memory_space<semaphore_mem>>)
    %dma_start3A_182 = arith.constant 15 : i32
    %dma_start3A_183 = arith.constant 15 : i32
    %dma_start3A_184 = arith.constant 0 : i32
    %dma_start3A_185 = arith.constant 0 : i32
    %dma_start3A_186 = tpu.memref_slice %arg6[%dma_start3A_183, %dma_start3A_184, %dma_start3A_185] : memref<16x50x128xf32, #tpu.memory_space<vmem>> -> memref<1x50x128xf32, #tpu.memory_space<vmem>>
    %dma_start3A_187 = tpu.memref_squeeze %dma_start3A_186 : memref<1x50x128xf32, #tpu.memory_space<vmem>> -> memref<50x128xf32, #tpu.memory_space<vmem>>
    %dma_start3A_188 = arith.constant 0 : i32
    %dma_start3A_189 = tpu.memref_slice %arg5[%dma_start3A_182, %dma_start3A_188] : memref<32x50xi32, #tpu.memory_space<vmem>> -> memref<1x50xi32, #tpu.memory_space<vmem>>
    %dma_start3A_190 = tpu.memref_squeeze %dma_start3A_189 : memref<1x50xi32, #tpu.memory_space<vmem>> -> memref<50xi32, #tpu.memory_space<vmem>>
    %dma_start3A_191 = arith.constant 0 : i32
    %dma_start3A_192 = arith.constant 0 : i32
    %dma_start3A_193 = tpu.memref_slice %arg2[%dma_start3A_191, %dma_start3A_192] : memref<1000x128xf32, #tpu.memory_space<hbm>> -> memref<1000x128xf32, #tpu.memory_space<hbm>>
    tpu.enqueue_indirect_dma source(%dma_start3A_193 : memref<1000x128xf32, #tpu.memory_space<hbm>>) target(%dma_start3A_187 : memref<50x128xf32, #tpu.memory_space<vmem>>) offsets(%dma_start3A_190 : memref<50xi32, #tpu.memory_space<vmem>>) semaphore(%arg7 : memref<!tpu.dma_semaphore, #tpu.memory_space<semaphore_mem>>)
    %dma_wait3A = arith.constant 0 : i32
    %dma_wait3A_194 = arith.constant 0 : i32
    %dma_wait3A_195 = arith.constant 0 : i32
    %dma_wait3A_196 = arith.constant 0 : i32
    %dma_wait3A_197 = tpu.memref_slice %arg6[%dma_wait3A_194, %dma_wait3A_195, %dma_wait3A_196] : memref<16x50x128xf32, #tpu.memory_space<vmem>> -> memref<1x50x128xf32, #tpu.memory_space<vmem>>
    %dma_wait3A_198 = tpu.memref_squeeze %dma_wait3A_197 : memref<1x50x128xf32, #tpu.memory_space<vmem>> -> memref<50x128xf32, #tpu.memory_space<vmem>>
    %dma_wait3A_199 = arith.constant 0 : i32
    %dma_wait3A_200 = tpu.memref_slice %arg5[%dma_wait3A, %dma_wait3A_199] : memref<32x50xi32, #tpu.memory_space<vmem>> -> memref<1x50xi32, #tpu.memory_space<vmem>>
    %dma_wait3A_201 = tpu.memref_squeeze %dma_wait3A_200 : memref<1x50xi32, #tpu.memory_space<vmem>> -> memref<50xi32, #tpu.memory_space<vmem>>
    %dma_wait3A_202 = arith.constant 0 : i32
    %dma_wait3A_203 = arith.constant 0 : i32
    %dma_wait3A_204 = tpu.memref_slice %arg2[%dma_wait3A_202, %dma_wait3A_203] : memref<1000x128xf32, #tpu.memory_space<hbm>> -> memref<1000x128xf32, #tpu.memory_space<hbm>>
    tpu.wait_indirect_dma semaphore(%arg7 : memref<!tpu.dma_semaphore, #tpu.memory_space<semaphore_mem>>) src(%dma_wait3A_204 : memref<1000x128xf32, #tpu.memory_space<hbm>>) dst(%dma_wait3A_198 : memref<50x128xf32, #tpu.memory_space<vmem>>)
    %dma_wait3A_205 = arith.constant 1 : i32
    %dma_wait3A_206 = arith.constant 1 : i32
    %dma_wait3A_207 = arith.constant 0 : i32
    %dma_wait3A_208 = arith.constant 0 : i32
    %dma_wait3A_209 = tpu.memref_slice %arg6[%dma_wait3A_206, %dma_wait3A_207, %dma_wait3A_208] : memref<16x50x128xf32, #tpu.memory_space<vmem>> -> memref<1x50x128xf32, #tpu.memory_space<vmem>>
    %dma_wait3A_210 = tpu.memref_squeeze %dma_wait3A_209 : memref<1x50x128xf32, #tpu.memory_space<vmem>> -> memref<50x128xf32, #tpu.memory_space<vmem>>
    %dma_wait3A_211 = arith.constant 0 : i32
    %dma_wait3A_212 = tpu.memref_slice %arg5[%dma_wait3A_205, %dma_wait3A_211] : memref<32x50xi32, #tpu.memory_space<vmem>> -> memref<1x50xi32, #tpu.memory_space<vmem>>
    %dma_wait3A_213 = tpu.memref_squeeze %dma_wait3A_212 : memref<1x50xi32, #tpu.memory_space<vmem>> -> memref<50xi32, #tpu.memory_space<vmem>>
    %dma_wait3A_214 = arith.constant 0 : i32
    %dma_wait3A_215 = arith.constant 0 : i32
    %dma_wait3A_216 = tpu.memref_slice %arg2[%dma_wait3A_214, %dma_wait3A_215] : memref<1000x128xf32, #tpu.memory_space<hbm>> -> memref<1000x128xf32, #tpu.memory_space<hbm>>
    tpu.wait_indirect_dma semaphore(%arg7 : memref<!tpu.dma_semaphore, #tpu.memory_space<semaphore_mem>>) src(%dma_wait3A_216 : memref<1000x128xf32, #tpu.memory_space<hbm>>) dst(%dma_wait3A_210 : memref<50x128xf32, #tpu.memory_space<vmem>>)
    %dma_wait3A_217 = arith.constant 2 : i32
    %dma_wait3A_218 = arith.constant 2 : i32
    %dma_wait3A_219 = arith.constant 0 : i32
    %dma_wait3A_220 = arith.constant 0 : i32
    %dma_wait3A_221 = tpu.memref_slice %arg6[%dma_wait3A_218, %dma_wait3A_219, %dma_wait3A_220] : memref<16x50x128xf32, #tpu.memory_space<vmem>> -> memref<1x50x128xf32, #tpu.memory_space<vmem>>
    %dma_wait3A_222 = tpu.memref_squeeze %dma_wait3A_221 : memref<1x50x128xf32, #tpu.memory_space<vmem>> -> memref<50x128xf32, #tpu.memory_space<vmem>>
    %dma_wait3A_223 = arith.constant 0 : i32
    %dma_wait3A_224 = tpu.memref_slice %arg5[%dma_wait3A_217, %dma_wait3A_223] : memref<32x50xi32, #tpu.memory_space<vmem>> -> memref<1x50xi32, #tpu.memory_space<vmem>>
    %dma_wait3A_225 = tpu.memref_squeeze %dma_wait3A_224 : memref<1x50xi32, #tpu.memory_space<vmem>> -> memref<50xi32, #tpu.memory_space<vmem>>
    %dma_wait3A_226 = arith.constant 0 : i32
    %dma_wait3A_227 = arith.constant 0 : i32
    %dma_wait3A_228 = tpu.memref_slice %arg2[%dma_wait3A_226, %dma_wait3A_227] : memref<1000x128xf32, #tpu.memory_space<hbm>> -> memref<1000x128xf32, #tpu.memory_space<hbm>>
    tpu.wait_indirect_dma semaphore(%arg7 : memref<!tpu.dma_semaphore, #tpu.memory_space<semaphore_mem>>) src(%dma_wait3A_228 : memref<1000x128xf32, #tpu.memory_space<hbm>>) dst(%dma_wait3A_222 : memref<50x128xf32, #tpu.memory_space<vmem>>)
    %dma_wait3A_229 = arith.constant 3 : i32
    %dma_wait3A_230 = arith.constant 3 : i32
    %dma_wait3A_231 = arith.constant 0 : i32
    %dma_wait3A_232 = arith.constant 0 : i32
    %dma_wait3A_233 = tpu.memref_slice %arg6[%dma_wait3A_230, %dma_wait3A_231, %dma_wait3A_232] : memref<16x50x128xf32, #tpu.memory_space<vmem>> -> memref<1x50x128xf32, #tpu.memory_space<vmem>>
    %dma_wait3A_234 = tpu.memref_squeeze %dma_wait3A_233 : memref<1x50x128xf32, #tpu.memory_space<vmem>> -> memref<50x128xf32, #tpu.memory_space<vmem>>
    %dma_wait3A_235 = arith.constant 0 : i32
    %dma_wait3A_236 = tpu.memref_slice %arg5[%dma_wait3A_229, %dma_wait3A_235] : memref<32x50xi32, #tpu.memory_space<vmem>> -> memref<1x50xi32, #tpu.memory_space<vmem>>
    %dma_wait3A_237 = tpu.memref_squeeze %dma_wait3A_236 : memref<1x50xi32, #tpu.memory_space<vmem>> -> memref<50xi32, #tpu.memory_space<vmem>>
    %dma_wait3A_238 = arith.constant 0 : i32
    %dma_wait3A_239 = arith.constant 0 : i32
    %dma_wait3A_240 = tpu.memref_slice %arg2[%dma_wait3A_238, %dma_wait3A_239] : memref<1000x128xf32, #tpu.memory_space<hbm>> -> memref<1000x128xf32, #tpu.memory_space<hbm>>
    tpu.wait_indirect_dma semaphore(%arg7 : memref<!tpu.dma_semaphore, #tpu.memory_space<semaphore_mem>>) src(%dma_wait3A_240 : memref<1000x128xf32, #tpu.memory_space<hbm>>) dst(%dma_wait3A_234 : memref<50x128xf32, #tpu.memory_space<vmem>>)
    %dma_wait3A_241 = arith.constant 4 : i32
    %dma_wait3A_242 = arith.constant 4 : i32
    %dma_wait3A_243 = arith.constant 0 : i32
    %dma_wait3A_244 = arith.constant 0 : i32
    %dma_wait3A_245 = tpu.memref_slice %arg6[%dma_wait3A_242, %dma_wait3A_243, %dma_wait3A_244] : memref<16x50x128xf32, #tpu.memory_space<vmem>> -> memref<1x50x128xf32, #tpu.memory_space<vmem>>
    %dma_wait3A_246 = tpu.memref_squeeze %dma_wait3A_245 : memref<1x50x128xf32, #tpu.memory_space<vmem>> -> memref<50x128xf32, #tpu.memory_space<vmem>>
    %dma_wait3A_247 = arith.constant 0 : i32
    %dma_wait3A_248 = tpu.memref_slice %arg5[%dma_wait3A_241, %dma_wait3A_247] : memref<32x50xi32, #tpu.memory_space<vmem>> -> memref<1x50xi32, #tpu.memory_space<vmem>>
    %dma_wait3A_249 = tpu.memref_squeeze %dma_wait3A_248 : memref<1x50xi32, #tpu.memory_space<vmem>> -> memref<50xi32, #tpu.memory_space<vmem>>
    %dma_wait3A_250 = arith.constant 0 : i32
    %dma_wait3A_251 = arith.constant 0 : i32
    %dma_wait3A_252 = tpu.memref_slice %arg2[%dma_wait3A_250, %dma_wait3A_251] : memref<1000x128xf32, #tpu.memory_space<hbm>> -> memref<1000x128xf32, #tpu.memory_space<hbm>>
    tpu.wait_indirect_dma semaphore(%arg7 : memref<!tpu.dma_semaphore, #tpu.memory_space<semaphore_mem>>) src(%dma_wait3A_252 : memref<1000x128xf32, #tpu.memory_space<hbm>>) dst(%dma_wait3A_246 : memref<50x128xf32, #tpu.memory_space<vmem>>)
    %dma_wait3A_253 = arith.constant 5 : i32
    %dma_wait3A_254 = arith.constant 5 : i32
    %dma_wait3A_255 = arith.constant 0 : i32
    %dma_wait3A_256 = arith.constant 0 : i32
    %dma_wait3A_257 = tpu.memref_slice %arg6[%dma_wait3A_254, %dma_wait3A_255, %dma_wait3A_256] : memref<16x50x128xf32, #tpu.memory_space<vmem>> -> memref<1x50x128xf32, #tpu.memory_space<vmem>>
    %dma_wait3A_258 = tpu.memref_squeeze %dma_wait3A_257 : memref<1x50x128xf32, #tpu.memory_space<vmem>> -> memref<50x128xf32, #tpu.memory_space<vmem>>
    %dma_wait3A_259 = arith.constant 0 : i32
    %dma_wait3A_260 = tpu.memref_slice %arg5[%dma_wait3A_253, %dma_wait3A_259] : memref<32x50xi32, #tpu.memory_space<vmem>> -> memref<1x50xi32, #tpu.memory_space<vmem>>
    %dma_wait3A_261 = tpu.memref_squeeze %dma_wait3A_260 : memref<1x50xi32, #tpu.memory_space<vmem>> -> memref<50xi32, #tpu.memory_space<vmem>>
    %dma_wait3A_262 = arith.constant 0 : i32
    %dma_wait3A_263 = arith.constant 0 : i32
    %dma_wait3A_264 = tpu.memref_slice %arg2[%dma_wait3A_262, %dma_wait3A_263] : memref<1000x128xf32, #tpu.memory_space<hbm>> -> memref<1000x128xf32, #tpu.memory_space<hbm>>
    tpu.wait_indirect_dma semaphore(%arg7 : memref<!tpu.dma_semaphore, #tpu.memory_space<semaphore_mem>>) src(%dma_wait3A_264 : memref<1000x128xf32, #tpu.memory_space<hbm>>) dst(%dma_wait3A_258 : memref<50x128xf32, #tpu.memory_space<vmem>>)
    %dma_wait3A_265 = arith.constant 6 : i32
    %dma_wait3A_266 = arith.constant 6 : i32
    %dma_wait3A_267 = arith.constant 0 : i32
    %dma_wait3A_268 = arith.constant 0 : i32
    %dma_wait3A_269 = tpu.memref_slice %arg6[%dma_wait3A_266, %dma_wait3A_267, %dma_wait3A_268] : memref<16x50x128xf32, #tpu.memory_space<vmem>> -> memref<1x50x128xf32, #tpu.memory_space<vmem>>
    %dma_wait3A_270 = tpu.memref_squeeze %dma_wait3A_269 : memref<1x50x128xf32, #tpu.memory_space<vmem>> -> memref<50x128xf32, #tpu.memory_space<vmem>>
    %dma_wait3A_271 = arith.constant 0 : i32
    %dma_wait3A_272 = tpu.memref_slice %arg5[%dma_wait3A_265, %dma_wait3A_271] : memref<32x50xi32, #tpu.memory_space<vmem>> -> memref<1x50xi32, #tpu.memory_space<vmem>>
    %dma_wait3A_273 = tpu.memref_squeeze %dma_wait3A_272 : memref<1x50xi32, #tpu.memory_space<vmem>> -> memref<50xi32, #tpu.memory_space<vmem>>
    %dma_wait3A_274 = arith.constant 0 : i32
    %dma_wait3A_275 = arith.constant 0 : i32
    %dma_wait3A_276 = tpu.memref_slice %arg2[%dma_wait3A_274, %dma_wait3A_275] : memref<1000x128xf32, #tpu.memory_space<hbm>> -> memref<1000x128xf32, #tpu.memory_space<hbm>>
    tpu.wait_indirect_dma semaphore(%arg7 : memref<!tpu.dma_semaphore, #tpu.memory_space<semaphore_mem>>) src(%dma_wait3A_276 : memref<1000x128xf32, #tpu.memory_space<hbm>>) dst(%dma_wait3A_270 : memref<50x128xf32, #tpu.memory_space<vmem>>)
    %dma_wait3A_277 = arith.constant 7 : i32
    %dma_wait3A_278 = arith.constant 7 : i32
    %dma_wait3A_279 = arith.constant 0 : i32
    %dma_wait3A_280 = arith.constant 0 : i32
    %dma_wait3A_281 = tpu.memref_slice %arg6[%dma_wait3A_278, %dma_wait3A_279, %dma_wait3A_280] : memref<16x50x128xf32, #tpu.memory_space<vmem>> -> memref<1x50x128xf32, #tpu.memory_space<vmem>>
    %dma_wait3A_282 = tpu.memref_squeeze %dma_wait3A_281 : memref<1x50x128xf32, #tpu.memory_space<vmem>> -> memref<50x128xf32, #tpu.memory_space<vmem>>
    %dma_wait3A_283 = arith.constant 0 : i32
    %dma_wait3A_284 = tpu.memref_slice %arg5[%dma_wait3A_277, %dma_wait3A_283] : memref<32x50xi32, #tpu.memory_space<vmem>> -> memref<1x50xi32, #tpu.memory_space<vmem>>
    %dma_wait3A_285 = tpu.memref_squeeze %dma_wait3A_284 : memref<1x50xi32, #tpu.memory_space<vmem>> -> memref<50xi32, #tpu.memory_space<vmem>>
    %dma_wait3A_286 = arith.constant 0 : i32
    %dma_wait3A_287 = arith.constant 0 : i32
    %dma_wait3A_288 = tpu.memref_slice %arg2[%dma_wait3A_286, %dma_wait3A_287] : memref<1000x128xf32, #tpu.memory_space<hbm>> -> memref<1000x128xf32, #tpu.memory_space<hbm>>
    tpu.wait_indirect_dma semaphore(%arg7 : memref<!tpu.dma_semaphore, #tpu.memory_space<semaphore_mem>>) src(%dma_wait3A_288 : memref<1000x128xf32, #tpu.memory_space<hbm>>) dst(%dma_wait3A_282 : memref<50x128xf32, #tpu.memory_space<vmem>>)
    %dma_wait3A_289 = arith.constant 8 : i32
    %dma_wait3A_290 = arith.constant 8 : i32
    %dma_wait3A_291 = arith.constant 0 : i32
    %dma_wait3A_292 = arith.constant 0 : i32
    %dma_wait3A_293 = tpu.memref_slice %arg6[%dma_wait3A_290, %dma_wait3A_291, %dma_wait3A_292] : memref<16x50x128xf32, #tpu.memory_space<vmem>> -> memref<1x50x128xf32, #tpu.memory_space<vmem>>
    %dma_wait3A_294 = tpu.memref_squeeze %dma_wait3A_293 : memref<1x50x128xf32, #tpu.memory_space<vmem>> -> memref<50x128xf32, #tpu.memory_space<vmem>>
    %dma_wait3A_295 = arith.constant 0 : i32
    %dma_wait3A_296 = tpu.memref_slice %arg5[%dma_wait3A_289, %dma_wait3A_295] : memref<32x50xi32, #tpu.memory_space<vmem>> -> memref<1x50xi32, #tpu.memory_space<vmem>>
    %dma_wait3A_297 = tpu.memref_squeeze %dma_wait3A_296 : memref<1x50xi32, #tpu.memory_space<vmem>> -> memref<50xi32, #tpu.memory_space<vmem>>
    %dma_wait3A_298 = arith.constant 0 : i32
    %dma_wait3A_299 = arith.constant 0 : i32
    %dma_wait3A_300 = tpu.memref_slice %arg2[%dma_wait3A_298, %dma_wait3A_299] : memref<1000x128xf32, #tpu.memory_space<hbm>> -> memref<1000x128xf32, #tpu.memory_space<hbm>>
    tpu.wait_indirect_dma semaphore(%arg7 : memref<!tpu.dma_semaphore, #tpu.memory_space<semaphore_mem>>) src(%dma_wait3A_300 : memref<1000x128xf32, #tpu.memory_space<hbm>>) dst(%dma_wait3A_294 : memref<50x128xf32, #tpu.memory_space<vmem>>)
    %dma_wait3A_301 = arith.constant 9 : i32
    %dma_wait3A_302 = arith.constant 9 : i32
    %dma_wait3A_303 = arith.constant 0 : i32
    %dma_wait3A_304 = arith.constant 0 : i32
    %dma_wait3A_305 = tpu.memref_slice %arg6[%dma_wait3A_302, %dma_wait3A_303, %dma_wait3A_304] : memref<16x50x128xf32, #tpu.memory_space<vmem>> -> memref<1x50x128xf32, #tpu.memory_space<vmem>>
    %dma_wait3A_306 = tpu.memref_squeeze %dma_wait3A_305 : memref<1x50x128xf32, #tpu.memory_space<vmem>> -> memref<50x128xf32, #tpu.memory_space<vmem>>
    %dma_wait3A_307 = arith.constant 0 : i32
    %dma_wait3A_308 = tpu.memref_slice %arg5[%dma_wait3A_301, %dma_wait3A_307] : memref<32x50xi32, #tpu.memory_space<vmem>> -> memref<1x50xi32, #tpu.memory_space<vmem>>
    %dma_wait3A_309 = tpu.memref_squeeze %dma_wait3A_308 : memref<1x50xi32, #tpu.memory_space<vmem>> -> memref<50xi32, #tpu.memory_space<vmem>>
    %dma_wait3A_310 = arith.constant 0 : i32
    %dma_wait3A_311 = arith.constant 0 : i32
    %dma_wait3A_312 = tpu.memref_slice %arg2[%dma_wait3A_310, %dma_wait3A_311] : memref<1000x128xf32, #tpu.memory_space<hbm>> -> memref<1000x128xf32, #tpu.memory_space<hbm>>
    tpu.wait_indirect_dma semaphore(%arg7 : memref<!tpu.dma_semaphore, #tpu.memory_space<semaphore_mem>>) src(%dma_wait3A_312 : memref<1000x128xf32, #tpu.memory_space<hbm>>) dst(%dma_wait3A_306 : memref<50x128xf32, #tpu.memory_space<vmem>>)
    %dma_wait3A_313 = arith.constant 10 : i32
    %dma_wait3A_314 = arith.constant 10 : i32
    %dma_wait3A_315 = arith.constant 0 : i32
    %dma_wait3A_316 = arith.constant 0 : i32
    %dma_wait3A_317 = tpu.memref_slice %arg6[%dma_wait3A_314, %dma_wait3A_315, %dma_wait3A_316] : memref<16x50x128xf32, #tpu.memory_space<vmem>> -> memref<1x50x128xf32, #tpu.memory_space<vmem>>
    %dma_wait3A_318 = tpu.memref_squeeze %dma_wait3A_317 : memref<1x50x128xf32, #tpu.memory_space<vmem>> -> memref<50x128xf32, #tpu.memory_space<vmem>>
    %dma_wait3A_319 = arith.constant 0 : i32
    %dma_wait3A_320 = tpu.memref_slice %arg5[%dma_wait3A_313, %dma_wait3A_319] : memref<32x50xi32, #tpu.memory_space<vmem>> -> memref<1x50xi32, #tpu.memory_space<vmem>>
    %dma_wait3A_321 = tpu.memref_squeeze %dma_wait3A_320 : memref<1x50xi32, #tpu.memory_space<vmem>> -> memref<50xi32, #tpu.memory_space<vmem>>
    %dma_wait3A_322 = arith.constant 0 : i32
    %dma_wait3A_323 = arith.constant 0 : i32
    %dma_wait3A_324 = tpu.memref_slice %arg2[%dma_wait3A_322, %dma_wait3A_323] : memref<1000x128xf32, #tpu.memory_space<hbm>> -> memref<1000x128xf32, #tpu.memory_space<hbm>>
    tpu.wait_indirect_dma semaphore(%arg7 : memref<!tpu.dma_semaphore, #tpu.memory_space<semaphore_mem>>) src(%dma_wait3A_324 : memref<1000x128xf32, #tpu.memory_space<hbm>>) dst(%dma_wait3A_318 : memref<50x128xf32, #tpu.memory_space<vmem>>)
    %dma_wait3A_325 = arith.constant 11 : i32
    %dma_wait3A_326 = arith.constant 11 : i32
    %dma_wait3A_327 = arith.constant 0 : i32
    %dma_wait3A_328 = arith.constant 0 : i32
    %dma_wait3A_329 = tpu.memref_slice %arg6[%dma_wait3A_326, %dma_wait3A_327, %dma_wait3A_328] : memref<16x50x128xf32, #tpu.memory_space<vmem>> -> memref<1x50x128xf32, #tpu.memory_space<vmem>>
    %dma_wait3A_330 = tpu.memref_squeeze %dma_wait3A_329 : memref<1x50x128xf32, #tpu.memory_space<vmem>> -> memref<50x128xf32, #tpu.memory_space<vmem>>
    %dma_wait3A_331 = arith.constant 0 : i32
    %dma_wait3A_332 = tpu.memref_slice %arg5[%dma_wait3A_325, %dma_wait3A_331] : memref<32x50xi32, #tpu.memory_space<vmem>> -> memref<1x50xi32, #tpu.memory_space<vmem>>
    %dma_wait3A_333 = tpu.memref_squeeze %dma_wait3A_332 : memref<1x50xi32, #tpu.memory_space<vmem>> -> memref<50xi32, #tpu.memory_space<vmem>>
    %dma_wait3A_334 = arith.constant 0 : i32
    %dma_wait3A_335 = arith.constant 0 : i32
    %dma_wait3A_336 = tpu.memref_slice %arg2[%dma_wait3A_334, %dma_wait3A_335] : memref<1000x128xf32, #tpu.memory_space<hbm>> -> memref<1000x128xf32, #tpu.memory_space<hbm>>
    tpu.wait_indirect_dma semaphore(%arg7 : memref<!tpu.dma_semaphore, #tpu.memory_space<semaphore_mem>>) src(%dma_wait3A_336 : memref<1000x128xf32, #tpu.memory_space<hbm>>) dst(%dma_wait3A_330 : memref<50x128xf32, #tpu.memory_space<vmem>>)
    %dma_wait3A_337 = arith.constant 12 : i32
    %dma_wait3A_338 = arith.constant 12 : i32
    %dma_wait3A_339 = arith.constant 0 : i32
    %dma_wait3A_340 = arith.constant 0 : i32
    %dma_wait3A_341 = tpu.memref_slice %arg6[%dma_wait3A_338, %dma_wait3A_339, %dma_wait3A_340] : memref<16x50x128xf32, #tpu.memory_space<vmem>> -> memref<1x50x128xf32, #tpu.memory_space<vmem>>
    %dma_wait3A_342 = tpu.memref_squeeze %dma_wait3A_341 : memref<1x50x128xf32, #tpu.memory_space<vmem>> -> memref<50x128xf32, #tpu.memory_space<vmem>>
    %dma_wait3A_343 = arith.constant 0 : i32
    %dma_wait3A_344 = tpu.memref_slice %arg5[%dma_wait3A_337, %dma_wait3A_343] : memref<32x50xi32, #tpu.memory_space<vmem>> -> memref<1x50xi32, #tpu.memory_space<vmem>>
    %dma_wait3A_345 = tpu.memref_squeeze %dma_wait3A_344 : memref<1x50xi32, #tpu.memory_space<vmem>> -> memref<50xi32, #tpu.memory_space<vmem>>
    %dma_wait3A_346 = arith.constant 0 : i32
    %dma_wait3A_347 = arith.constant 0 : i32
    %dma_wait3A_348 = tpu.memref_slice %arg2[%dma_wait3A_346, %dma_wait3A_347] : memref<1000x128xf32, #tpu.memory_space<hbm>> -> memref<1000x128xf32, #tpu.memory_space<hbm>>
    tpu.wait_indirect_dma semaphore(%arg7 : memref<!tpu.dma_semaphore, #tpu.memory_space<semaphore_mem>>) src(%dma_wait3A_348 : memref<1000x128xf32, #tpu.memory_space<hbm>>) dst(%dma_wait3A_342 : memref<50x128xf32, #tpu.memory_space<vmem>>)
    %dma_wait3A_349 = arith.constant 13 : i32
    %dma_wait3A_350 = arith.constant 13 : i32
    %dma_wait3A_351 = arith.constant 0 : i32
    %dma_wait3A_352 = arith.constant 0 : i32
    %dma_wait3A_353 = tpu.memref_slice %arg6[%dma_wait3A_350, %dma_wait3A_351, %dma_wait3A_352] : memref<16x50x128xf32, #tpu.memory_space<vmem>> -> memref<1x50x128xf32, #tpu.memory_space<vmem>>
    %dma_wait3A_354 = tpu.memref_squeeze %dma_wait3A_353 : memref<1x50x128xf32, #tpu.memory_space<vmem>> -> memref<50x128xf32, #tpu.memory_space<vmem>>
    %dma_wait3A_355 = arith.constant 0 : i32
    %dma_wait3A_356 = tpu.memref_slice %arg5[%dma_wait3A_349, %dma_wait3A_355] : memref<32x50xi32, #tpu.memory_space<vmem>> -> memref<1x50xi32, #tpu.memory_space<vmem>>
    %dma_wait3A_357 = tpu.memref_squeeze %dma_wait3A_356 : memref<1x50xi32, #tpu.memory_space<vmem>> -> memref<50xi32, #tpu.memory_space<vmem>>
    %dma_wait3A_358 = arith.constant 0 : i32
    %dma_wait3A_359 = arith.constant 0 : i32
    %dma_wait3A_360 = tpu.memref_slice %arg2[%dma_wait3A_358, %dma_wait3A_359] : memref<1000x128xf32, #tpu.memory_space<hbm>> -> memref<1000x128xf32, #tpu.memory_space<hbm>>
    tpu.wait_indirect_dma semaphore(%arg7 : memref<!tpu.dma_semaphore, #tpu.memory_space<semaphore_mem>>) src(%dma_wait3A_360 : memref<1000x128xf32, #tpu.memory_space<hbm>>) dst(%dma_wait3A_354 : memref<50x128xf32, #tpu.memory_space<vmem>>)
    %dma_wait3A_361 = arith.constant 14 : i32
    %dma_wait3A_362 = arith.constant 14 : i32
    %dma_wait3A_363 = arith.constant 0 : i32
    %dma_wait3A_364 = arith.constant 0 : i32
    %dma_wait3A_365 = tpu.memref_slice %arg6[%dma_wait3A_362, %dma_wait3A_363, %dma_wait3A_364] : memref<16x50x128xf32, #tpu.memory_space<vmem>> -> memref<1x50x128xf32, #tpu.memory_space<vmem>>
    %dma_wait3A_366 = tpu.memref_squeeze %dma_wait3A_365 : memref<1x50x128xf32, #tpu.memory_space<vmem>> -> memref<50x128xf32, #tpu.memory_space<vmem>>
    %dma_wait3A_367 = arith.constant 0 : i32
    %dma_wait3A_368 = tpu.memref_slice %arg5[%dma_wait3A_361, %dma_wait3A_367] : memref<32x50xi32, #tpu.memory_space<vmem>> -> memref<1x50xi32, #tpu.memory_space<vmem>>
    %dma_wait3A_369 = tpu.memref_squeeze %dma_wait3A_368 : memref<1x50xi32, #tpu.memory_space<vmem>> -> memref<50xi32, #tpu.memory_space<vmem>>
    %dma_wait3A_370 = arith.constant 0 : i32
    %dma_wait3A_371 = arith.constant 0 : i32
    %dma_wait3A_372 = tpu.memref_slice %arg2[%dma_wait3A_370, %dma_wait3A_371] : memref<1000x128xf32, #tpu.memory_space<hbm>> -> memref<1000x128xf32, #tpu.memory_space<hbm>>
    tpu.wait_indirect_dma semaphore(%arg7 : memref<!tpu.dma_semaphore, #tpu.memory_space<semaphore_mem>>) src(%dma_wait3A_372 : memref<1000x128xf32, #tpu.memory_space<hbm>>) dst(%dma_wait3A_366 : memref<50x128xf32, #tpu.memory_space<vmem>>)
    %dma_wait3A_373 = arith.constant 15 : i32
    %dma_wait3A_374 = arith.constant 15 : i32
    %dma_wait3A_375 = arith.constant 0 : i32
    %dma_wait3A_376 = arith.constant 0 : i32
    %dma_wait3A_377 = tpu.memref_slice %arg6[%dma_wait3A_374, %dma_wait3A_375, %dma_wait3A_376] : memref<16x50x128xf32, #tpu.memory_space<vmem>> -> memref<1x50x128xf32, #tpu.memory_space<vmem>>
    %dma_wait3A_378 = tpu.memref_squeeze %dma_wait3A_377 : memref<1x50x128xf32, #tpu.memory_space<vmem>> -> memref<50x128xf32, #tpu.memory_space<vmem>>
    %dma_wait3A_379 = arith.constant 0 : i32
    %dma_wait3A_380 = tpu.memref_slice %arg5[%dma_wait3A_373, %dma_wait3A_379] : memref<32x50xi32, #tpu.memory_space<vmem>> -> memref<1x50xi32, #tpu.memory_space<vmem>>
    %dma_wait3A_381 = tpu.memref_squeeze %dma_wait3A_380 : memref<1x50xi32, #tpu.memory_space<vmem>> -> memref<50xi32, #tpu.memory_space<vmem>>
    %dma_wait3A_382 = arith.constant 0 : i32
    %dma_wait3A_383 = arith.constant 0 : i32
    %dma_wait3A_384 = tpu.memref_slice %arg2[%dma_wait3A_382, %dma_wait3A_383] : memref<1000x128xf32, #tpu.memory_space<hbm>> -> memref<1000x128xf32, #tpu.memory_space<hbm>>
    tpu.wait_indirect_dma semaphore(%arg7 : memref<!tpu.dma_semaphore, #tpu.memory_space<semaphore_mem>>) src(%dma_wait3A_384 : memref<1000x128xf32, #tpu.memory_space<hbm>>) dst(%dma_wait3A_378 : memref<50x128xf32, #tpu.memory_space<vmem>>)
    %add3A_385 = arith.constant 0 : i32
    %add3A_386 = arith.addi %mul3A_2, %add3A_385 : i32
    "tpu.region"() ({
      %run_scoped3A = tpu.sem_alloc : memref<!tpu.dma_semaphore, #tpu.memory_space<semaphore_mem>>
      %dma_start3A_773 = arith.constant 0 : i32
      %dma_start3A_774 = arith.constant 0 : i32
      %dma_start3A_775 = tpu.memref_slice %arg4[%add3A_386, %dma_start3A_773, %dma_start3A_774] : memref<1024x50x128xf32, #tpu.memory_space<hbm>> -> memref<16x50x128xf32, #tpu.memory_space<hbm>>
      %dma_start3A_776 = arith.constant 0 : i32
      %dma_start3A_777 = arith.constant 0 : i32
      %dma_start3A_778 = tpu.memref_slice %arg4[%add3A_386, %dma_start3A_776, %dma_start3A_777] : memref<1024x50x128xf32, #tpu.memory_space<hbm>> -> memref<16x50x128xf32, #tpu.memory_space<hbm>>
      tpu.enqueue_dma source(%arg6 : memref<16x50x128xf32, #tpu.memory_space<vmem>>) target(%dma_start3A_778 : memref<16x50x128xf32, #tpu.memory_space<hbm>>) target_semaphore(%run_scoped3A : memref<!tpu.dma_semaphore, #tpu.memory_space<semaphore_mem>>)
      %dma_wait3A_779 = arith.constant 0 : i32
      %dma_wait3A_780 = arith.constant 0 : i32
      %dma_wait3A_781 = tpu.memref_slice %arg4[%add3A_386, %dma_wait3A_779, %dma_wait3A_780] : memref<1024x50x128xf32, #tpu.memory_space<hbm>> -> memref<16x50x128xf32, #tpu.memory_space<hbm>>
      %dma_wait3A_782 = arith.constant 0 : i32
      %dma_wait3A_783 = arith.constant 0 : i32
      %dma_wait3A_784 = tpu.memref_slice %arg4[%add3A_386, %dma_wait3A_782, %dma_wait3A_783] : memref<1024x50x128xf32, #tpu.memory_space<hbm>> -> memref<16x50x128xf32, #tpu.memory_space<hbm>>
      tpu.wait_dma2 semaphore(%run_scoped3A : memref<!tpu.dma_semaphore, #tpu.memory_space<semaphore_mem>>) src(%arg6 : memref<16x50x128xf32, #tpu.memory_space<vmem>>) dst(%dma_wait3A_784 : memref<16x50x128xf32, #tpu.memory_space<hbm>>)
      tpu.yield
    }) : () -> ()
    %dma_start3A_387 = arith.constant 16 : i32
    %dma_start3A_388 = arith.constant 0 : i32
    %dma_start3A_389 = arith.constant 0 : i32
    %dma_start3A_390 = arith.constant 0 : i32
    %dma_start3A_391 = tpu.memref_slice %arg6[%dma_start3A_388, %dma_start3A_389, %dma_start3A_390] : memref<16x50x128xf32, #tpu.memory_space<vmem>> -> memref<1x50x128xf32, #tpu.memory_space<vmem>>
    %dma_start3A_392 = tpu.memref_squeeze %dma_start3A_391 : memref<1x50x128xf32, #tpu.memory_space<vmem>> -> memref<50x128xf32, #tpu.memory_space<vmem>>
    %dma_start3A_393 = arith.constant 0 : i32
    %dma_start3A_394 = tpu.memref_slice %arg5[%dma_start3A_387, %dma_start3A_393] : memref<32x50xi32, #tpu.memory_space<vmem>> -> memref<1x50xi32, #tpu.memory_space<vmem>>
    %dma_start3A_395 = tpu.memref_squeeze %dma_start3A_394 : memref<1x50xi32, #tpu.memory_space<vmem>> -> memref<50xi32, #tpu.memory_space<vmem>>
    %dma_start3A_396 = arith.constant 0 : i32
    %dma_start3A_397 = arith.constant 0 : i32
    %dma_start3A_398 = tpu.memref_slice %arg2[%dma_start3A_396, %dma_start3A_397] : memref<1000x128xf32, #tpu.memory_space<hbm>> -> memref<1000x128xf32, #tpu.memory_space<hbm>>
    tpu.enqueue_indirect_dma source(%dma_start3A_398 : memref<1000x128xf32, #tpu.memory_space<hbm>>) target(%dma_start3A_392 : memref<50x128xf32, #tpu.memory_space<vmem>>) offsets(%dma_start3A_395 : memref<50xi32, #tpu.memory_space<vmem>>) semaphore(%arg7 : memref<!tpu.dma_semaphore, #tpu.memory_space<semaphore_mem>>)
    %dma_start3A_399 = arith.constant 17 : i32
    %dma_start3A_400 = arith.constant 1 : i32
    %dma_start3A_401 = arith.constant 0 : i32
    %dma_start3A_402 = arith.constant 0 : i32
    %dma_start3A_403 = tpu.memref_slice %arg6[%dma_start3A_400, %dma_start3A_401, %dma_start3A_402] : memref<16x50x128xf32, #tpu.memory_space<vmem>> -> memref<1x50x128xf32, #tpu.memory_space<vmem>>
    %dma_start3A_404 = tpu.memref_squeeze %dma_start3A_403 : memref<1x50x128xf32, #tpu.memory_space<vmem>> -> memref<50x128xf32, #tpu.memory_space<vmem>>
    %dma_start3A_405 = arith.constant 0 : i32
    %dma_start3A_406 = tpu.memref_slice %arg5[%dma_start3A_399, %dma_start3A_405] : memref<32x50xi32, #tpu.memory_space<vmem>> -> memref<1x50xi32, #tpu.memory_space<vmem>>
    %dma_start3A_407 = tpu.memref_squeeze %dma_start3A_406 : memref<1x50xi32, #tpu.memory_space<vmem>> -> memref<50xi32, #tpu.memory_space<vmem>>
    %dma_start3A_408 = arith.constant 0 : i32
    %dma_start3A_409 = arith.constant 0 : i32
    %dma_start3A_410 = tpu.memref_slice %arg2[%dma_start3A_408, %dma_start3A_409] : memref<1000x128xf32, #tpu.memory_space<hbm>> -> memref<1000x128xf32, #tpu.memory_space<hbm>>
    tpu.enqueue_indirect_dma source(%dma_start3A_410 : memref<1000x128xf32, #tpu.memory_space<hbm>>) target(%dma_start3A_404 : memref<50x128xf32, #tpu.memory_space<vmem>>) offsets(%dma_start3A_407 : memref<50xi32, #tpu.memory_space<vmem>>) semaphore(%arg7 : memref<!tpu.dma_semaphore, #tpu.memory_space<semaphore_mem>>)
    %dma_start3A_411 = arith.constant 18 : i32
    %dma_start3A_412 = arith.constant 2 : i32
    %dma_start3A_413 = arith.constant 0 : i32
    %dma_start3A_414 = arith.constant 0 : i32
    %dma_start3A_415 = tpu.memref_slice %arg6[%dma_start3A_412, %dma_start3A_413, %dma_start3A_414] : memref<16x50x128xf32, #tpu.memory_space<vmem>> -> memref<1x50x128xf32, #tpu.memory_space<vmem>>
    %dma_start3A_416 = tpu.memref_squeeze %dma_start3A_415 : memref<1x50x128xf32, #tpu.memory_space<vmem>> -> memref<50x128xf32, #tpu.memory_space<vmem>>
    %dma_start3A_417 = arith.constant 0 : i32
    %dma_start3A_418 = tpu.memref_slice %arg5[%dma_start3A_411, %dma_start3A_417] : memref<32x50xi32, #tpu.memory_space<vmem>> -> memref<1x50xi32, #tpu.memory_space<vmem>>
    %dma_start3A_419 = tpu.memref_squeeze %dma_start3A_418 : memref<1x50xi32, #tpu.memory_space<vmem>> -> memref<50xi32, #tpu.memory_space<vmem>>
    %dma_start3A_420 = arith.constant 0 : i32
    %dma_start3A_421 = arith.constant 0 : i32
    %dma_start3A_422 = tpu.memref_slice %arg2[%dma_start3A_420, %dma_start3A_421] : memref<1000x128xf32, #tpu.memory_space<hbm>> -> memref<1000x128xf32, #tpu.memory_space<hbm>>
    tpu.enqueue_indirect_dma source(%dma_start3A_422 : memref<1000x128xf32, #tpu.memory_space<hbm>>) target(%dma_start3A_416 : memref<50x128xf32, #tpu.memory_space<vmem>>) offsets(%dma_start3A_419 : memref<50xi32, #tpu.memory_space<vmem>>) semaphore(%arg7 : memref<!tpu.dma_semaphore, #tpu.memory_space<semaphore_mem>>)
    %dma_start3A_423 = arith.constant 19 : i32
    %dma_start3A_424 = arith.constant 3 : i32
    %dma_start3A_425 = arith.constant 0 : i32
    %dma_start3A_426 = arith.constant 0 : i32
    %dma_start3A_427 = tpu.memref_slice %arg6[%dma_start3A_424, %dma_start3A_425, %dma_start3A_426] : memref<16x50x128xf32, #tpu.memory_space<vmem>> -> memref<1x50x128xf32, #tpu.memory_space<vmem>>
    %dma_start3A_428 = tpu.memref_squeeze %dma_start3A_427 : memref<1x50x128xf32, #tpu.memory_space<vmem>> -> memref<50x128xf32, #tpu.memory_space<vmem>>
    %dma_start3A_429 = arith.constant 0 : i32
    %dma_start3A_430 = tpu.memref_slice %arg5[%dma_start3A_423, %dma_start3A_429] : memref<32x50xi32, #tpu.memory_space<vmem>> -> memref<1x50xi32, #tpu.memory_space<vmem>>
    %dma_start3A_431 = tpu.memref_squeeze %dma_start3A_430 : memref<1x50xi32, #tpu.memory_space<vmem>> -> memref<50xi32, #tpu.memory_space<vmem>>
    %dma_start3A_432 = arith.constant 0 : i32
    %dma_start3A_433 = arith.constant 0 : i32
    %dma_start3A_434 = tpu.memref_slice %arg2[%dma_start3A_432, %dma_start3A_433] : memref<1000x128xf32, #tpu.memory_space<hbm>> -> memref<1000x128xf32, #tpu.memory_space<hbm>>
    tpu.enqueue_indirect_dma source(%dma_start3A_434 : memref<1000x128xf32, #tpu.memory_space<hbm>>) target(%dma_start3A_428 : memref<50x128xf32, #tpu.memory_space<vmem>>) offsets(%dma_start3A_431 : memref<50xi32, #tpu.memory_space<vmem>>) semaphore(%arg7 : memref<!tpu.dma_semaphore, #tpu.memory_space<semaphore_mem>>)
    %dma_start3A_435 = arith.constant 20 : i32
    %dma_start3A_436 = arith.constant 4 : i32
    %dma_start3A_437 = arith.constant 0 : i32
    %dma_start3A_438 = arith.constant 0 : i32
    %dma_start3A_439 = tpu.memref_slice %arg6[%dma_start3A_436, %dma_start3A_437, %dma_start3A_438] : memref<16x50x128xf32, #tpu.memory_space<vmem>> -> memref<1x50x128xf32, #tpu.memory_space<vmem>>
    %dma_start3A_440 = tpu.memref_squeeze %dma_start3A_439 : memref<1x50x128xf32, #tpu.memory_space<vmem>> -> memref<50x128xf32, #tpu.memory_space<vmem>>
    %dma_start3A_441 = arith.constant 0 : i32
    %dma_start3A_442 = tpu.memref_slice %arg5[%dma_start3A_435, %dma_start3A_441] : memref<32x50xi32, #tpu.memory_space<vmem>> -> memref<1x50xi32, #tpu.memory_space<vmem>>
    %dma_start3A_443 = tpu.memref_squeeze %dma_start3A_442 : memref<1x50xi32, #tpu.memory_space<vmem>> -> memref<50xi32, #tpu.memory_space<vmem>>
    %dma_start3A_444 = arith.constant 0 : i32
    %dma_start3A_445 = arith.constant 0 : i32
    %dma_start3A_446 = tpu.memref_slice %arg2[%dma_start3A_444, %dma_start3A_445] : memref<1000x128xf32, #tpu.memory_space<hbm>> -> memref<1000x128xf32, #tpu.memory_space<hbm>>
    tpu.enqueue_indirect_dma source(%dma_start3A_446 : memref<1000x128xf32, #tpu.memory_space<hbm>>) target(%dma_start3A_440 : memref<50x128xf32, #tpu.memory_space<vmem>>) offsets(%dma_start3A_443 : memref<50xi32, #tpu.memory_space<vmem>>) semaphore(%arg7 : memref<!tpu.dma_semaphore, #tpu.memory_space<semaphore_mem>>)
    %dma_start3A_447 = arith.constant 21 : i32
    %dma_start3A_448 = arith.constant 5 : i32
    %dma_start3A_449 = arith.constant 0 : i32
    %dma_start3A_450 = arith.constant 0 : i32
    %dma_start3A_451 = tpu.memref_slice %arg6[%dma_start3A_448, %dma_start3A_449, %dma_start3A_450] : memref<16x50x128xf32, #tpu.memory_space<vmem>> -> memref<1x50x128xf32, #tpu.memory_space<vmem>>
    %dma_start3A_452 = tpu.memref_squeeze %dma_start3A_451 : memref<1x50x128xf32, #tpu.memory_space<vmem>> -> memref<50x128xf32, #tpu.memory_space<vmem>>
    %dma_start3A_453 = arith.constant 0 : i32
    %dma_start3A_454 = tpu.memref_slice %arg5[%dma_start3A_447, %dma_start3A_453] : memref<32x50xi32, #tpu.memory_space<vmem>> -> memref<1x50xi32, #tpu.memory_space<vmem>>
    %dma_start3A_455 = tpu.memref_squeeze %dma_start3A_454 : memref<1x50xi32, #tpu.memory_space<vmem>> -> memref<50xi32, #tpu.memory_space<vmem>>
    %dma_start3A_456 = arith.constant 0 : i32
    %dma_start3A_457 = arith.constant 0 : i32
    %dma_start3A_458 = tpu.memref_slice %arg2[%dma_start3A_456, %dma_start3A_457] : memref<1000x128xf32, #tpu.memory_space<hbm>> -> memref<1000x128xf32, #tpu.memory_space<hbm>>
    tpu.enqueue_indirect_dma source(%dma_start3A_458 : memref<1000x128xf32, #tpu.memory_space<hbm>>) target(%dma_start3A_452 : memref<50x128xf32, #tpu.memory_space<vmem>>) offsets(%dma_start3A_455 : memref<50xi32, #tpu.memory_space<vmem>>) semaphore(%arg7 : memref<!tpu.dma_semaphore, #tpu.memory_space<semaphore_mem>>)
    %dma_start3A_459 = arith.constant 22 : i32
    %dma_start3A_460 = arith.constant 6 : i32
    %dma_start3A_461 = arith.constant 0 : i32
    %dma_start3A_462 = arith.constant 0 : i32
    %dma_start3A_463 = tpu.memref_slice %arg6[%dma_start3A_460, %dma_start3A_461, %dma_start3A_462] : memref<16x50x128xf32, #tpu.memory_space<vmem>> -> memref<1x50x128xf32, #tpu.memory_space<vmem>>
    %dma_start3A_464 = tpu.memref_squeeze %dma_start3A_463 : memref<1x50x128xf32, #tpu.memory_space<vmem>> -> memref<50x128xf32, #tpu.memory_space<vmem>>
    %dma_start3A_465 = arith.constant 0 : i32
    %dma_start3A_466 = tpu.memref_slice %arg5[%dma_start3A_459, %dma_start3A_465] : memref<32x50xi32, #tpu.memory_space<vmem>> -> memref<1x50xi32, #tpu.memory_space<vmem>>
    %dma_start3A_467 = tpu.memref_squeeze %dma_start3A_466 : memref<1x50xi32, #tpu.memory_space<vmem>> -> memref<50xi32, #tpu.memory_space<vmem>>
    %dma_start3A_468 = arith.constant 0 : i32
    %dma_start3A_469 = arith.constant 0 : i32
    %dma_start3A_470 = tpu.memref_slice %arg2[%dma_start3A_468, %dma_start3A_469] : memref<1000x128xf32, #tpu.memory_space<hbm>> -> memref<1000x128xf32, #tpu.memory_space<hbm>>
    tpu.enqueue_indirect_dma source(%dma_start3A_470 : memref<1000x128xf32, #tpu.memory_space<hbm>>) target(%dma_start3A_464 : memref<50x128xf32, #tpu.memory_space<vmem>>) offsets(%dma_start3A_467 : memref<50xi32, #tpu.memory_space<vmem>>) semaphore(%arg7 : memref<!tpu.dma_semaphore, #tpu.memory_space<semaphore_mem>>)
    %dma_start3A_471 = arith.constant 23 : i32
    %dma_start3A_472 = arith.constant 7 : i32
    %dma_start3A_473 = arith.constant 0 : i32
    %dma_start3A_474 = arith.constant 0 : i32
    %dma_start3A_475 = tpu.memref_slice %arg6[%dma_start3A_472, %dma_start3A_473, %dma_start3A_474] : memref<16x50x128xf32, #tpu.memory_space<vmem>> -> memref<1x50x128xf32, #tpu.memory_space<vmem>>
    %dma_start3A_476 = tpu.memref_squeeze %dma_start3A_475 : memref<1x50x128xf32, #tpu.memory_space<vmem>> -> memref<50x128xf32, #tpu.memory_space<vmem>>
    %dma_start3A_477 = arith.constant 0 : i32
    %dma_start3A_478 = tpu.memref_slice %arg5[%dma_start3A_471, %dma_start3A_477] : memref<32x50xi32, #tpu.memory_space<vmem>> -> memref<1x50xi32, #tpu.memory_space<vmem>>
    %dma_start3A_479 = tpu.memref_squeeze %dma_start3A_478 : memref<1x50xi32, #tpu.memory_space<vmem>> -> memref<50xi32, #tpu.memory_space<vmem>>
    %dma_start3A_480 = arith.constant 0 : i32
    %dma_start3A_481 = arith.constant 0 : i32
    %dma_start3A_482 = tpu.memref_slice %arg2[%dma_start3A_480, %dma_start3A_481] : memref<1000x128xf32, #tpu.memory_space<hbm>> -> memref<1000x128xf32, #tpu.memory_space<hbm>>
    tpu.enqueue_indirect_dma source(%dma_start3A_482 : memref<1000x128xf32, #tpu.memory_space<hbm>>) target(%dma_start3A_476 : memref<50x128xf32, #tpu.memory_space<vmem>>) offsets(%dma_start3A_479 : memref<50xi32, #tpu.memory_space<vmem>>) semaphore(%arg7 : memref<!tpu.dma_semaphore, #tpu.memory_space<semaphore_mem>>)
    %dma_start3A_483 = arith.constant 24 : i32
    %dma_start3A_484 = arith.constant 8 : i32
    %dma_start3A_485 = arith.constant 0 : i32
    %dma_start3A_486 = arith.constant 0 : i32
    %dma_start3A_487 = tpu.memref_slice %arg6[%dma_start3A_484, %dma_start3A_485, %dma_start3A_486] : memref<16x50x128xf32, #tpu.memory_space<vmem>> -> memref<1x50x128xf32, #tpu.memory_space<vmem>>
    %dma_start3A_488 = tpu.memref_squeeze %dma_start3A_487 : memref<1x50x128xf32, #tpu.memory_space<vmem>> -> memref<50x128xf32, #tpu.memory_space<vmem>>
    %dma_start3A_489 = arith.constant 0 : i32
    %dma_start3A_490 = tpu.memref_slice %arg5[%dma_start3A_483, %dma_start3A_489] : memref<32x50xi32, #tpu.memory_space<vmem>> -> memref<1x50xi32, #tpu.memory_space<vmem>>
    %dma_start3A_491 = tpu.memref_squeeze %dma_start3A_490 : memref<1x50xi32, #tpu.memory_space<vmem>> -> memref<50xi32, #tpu.memory_space<vmem>>
    %dma_start3A_492 = arith.constant 0 : i32
    %dma_start3A_493 = arith.constant 0 : i32
    %dma_start3A_494 = tpu.memref_slice %arg2[%dma_start3A_492, %dma_start3A_493] : memref<1000x128xf32, #tpu.memory_space<hbm>> -> memref<1000x128xf32, #tpu.memory_space<hbm>>
    tpu.enqueue_indirect_dma source(%dma_start3A_494 : memref<1000x128xf32, #tpu.memory_space<hbm>>) target(%dma_start3A_488 : memref<50x128xf32, #tpu.memory_space<vmem>>) offsets(%dma_start3A_491 : memref<50xi32, #tpu.memory_space<vmem>>) semaphore(%arg7 : memref<!tpu.dma_semaphore, #tpu.memory_space<semaphore_mem>>)
    %dma_start3A_495 = arith.constant 25 : i32
    %dma_start3A_496 = arith.constant 9 : i32
    %dma_start3A_497 = arith.constant 0 : i32
    %dma_start3A_498 = arith.constant 0 : i32
    %dma_start3A_499 = tpu.memref_slice %arg6[%dma_start3A_496, %dma_start3A_497, %dma_start3A_498] : memref<16x50x128xf32, #tpu.memory_space<vmem>> -> memref<1x50x128xf32, #tpu.memory_space<vmem>>
    %dma_start3A_500 = tpu.memref_squeeze %dma_start3A_499 : memref<1x50x128xf32, #tpu.memory_space<vmem>> -> memref<50x128xf32, #tpu.memory_space<vmem>>
    %dma_start3A_501 = arith.constant 0 : i32
    %dma_start3A_502 = tpu.memref_slice %arg5[%dma_start3A_495, %dma_start3A_501] : memref<32x50xi32, #tpu.memory_space<vmem>> -> memref<1x50xi32, #tpu.memory_space<vmem>>
    %dma_start3A_503 = tpu.memref_squeeze %dma_start3A_502 : memref<1x50xi32, #tpu.memory_space<vmem>> -> memref<50xi32, #tpu.memory_space<vmem>>
    %dma_start3A_504 = arith.constant 0 : i32
    %dma_start3A_505 = arith.constant 0 : i32
    %dma_start3A_506 = tpu.memref_slice %arg2[%dma_start3A_504, %dma_start3A_505] : memref<1000x128xf32, #tpu.memory_space<hbm>> -> memref<1000x128xf32, #tpu.memory_space<hbm>>
    tpu.enqueue_indirect_dma source(%dma_start3A_506 : memref<1000x128xf32, #tpu.memory_space<hbm>>) target(%dma_start3A_500 : memref<50x128xf32, #tpu.memory_space<vmem>>) offsets(%dma_start3A_503 : memref<50xi32, #tpu.memory_space<vmem>>) semaphore(%arg7 : memref<!tpu.dma_semaphore, #tpu.memory_space<semaphore_mem>>)
    %dma_start3A_507 = arith.constant 26 : i32
    %dma_start3A_508 = arith.constant 10 : i32
    %dma_start3A_509 = arith.constant 0 : i32
    %dma_start3A_510 = arith.constant 0 : i32
    %dma_start3A_511 = tpu.memref_slice %arg6[%dma_start3A_508, %dma_start3A_509, %dma_start3A_510] : memref<16x50x128xf32, #tpu.memory_space<vmem>> -> memref<1x50x128xf32, #tpu.memory_space<vmem>>
    %dma_start3A_512 = tpu.memref_squeeze %dma_start3A_511 : memref<1x50x128xf32, #tpu.memory_space<vmem>> -> memref<50x128xf32, #tpu.memory_space<vmem>>
    %dma_start3A_513 = arith.constant 0 : i32
    %dma_start3A_514 = tpu.memref_slice %arg5[%dma_start3A_507, %dma_start3A_513] : memref<32x50xi32, #tpu.memory_space<vmem>> -> memref<1x50xi32, #tpu.memory_space<vmem>>
    %dma_start3A_515 = tpu.memref_squeeze %dma_start3A_514 : memref<1x50xi32, #tpu.memory_space<vmem>> -> memref<50xi32, #tpu.memory_space<vmem>>
    %dma_start3A_516 = arith.constant 0 : i32
    %dma_start3A_517 = arith.constant 0 : i32
    %dma_start3A_518 = tpu.memref_slice %arg2[%dma_start3A_516, %dma_start3A_517] : memref<1000x128xf32, #tpu.memory_space<hbm>> -> memref<1000x128xf32, #tpu.memory_space<hbm>>
    tpu.enqueue_indirect_dma source(%dma_start3A_518 : memref<1000x128xf32, #tpu.memory_space<hbm>>) target(%dma_start3A_512 : memref<50x128xf32, #tpu.memory_space<vmem>>) offsets(%dma_start3A_515 : memref<50xi32, #tpu.memory_space<vmem>>) semaphore(%arg7 : memref<!tpu.dma_semaphore, #tpu.memory_space<semaphore_mem>>)
    %dma_start3A_519 = arith.constant 27 : i32
    %dma_start3A_520 = arith.constant 11 : i32
    %dma_start3A_521 = arith.constant 0 : i32
    %dma_start3A_522 = arith.constant 0 : i32
    %dma_start3A_523 = tpu.memref_slice %arg6[%dma_start3A_520, %dma_start3A_521, %dma_start3A_522] : memref<16x50x128xf32, #tpu.memory_space<vmem>> -> memref<1x50x128xf32, #tpu.memory_space<vmem>>
    %dma_start3A_524 = tpu.memref_squeeze %dma_start3A_523 : memref<1x50x128xf32, #tpu.memory_space<vmem>> -> memref<50x128xf32, #tpu.memory_space<vmem>>
    %dma_start3A_525 = arith.constant 0 : i32
    %dma_start3A_526 = tpu.memref_slice %arg5[%dma_start3A_519, %dma_start3A_525] : memref<32x50xi32, #tpu.memory_space<vmem>> -> memref<1x50xi32, #tpu.memory_space<vmem>>
    %dma_start3A_527 = tpu.memref_squeeze %dma_start3A_526 : memref<1x50xi32, #tpu.memory_space<vmem>> -> memref<50xi32, #tpu.memory_space<vmem>>
    %dma_start3A_528 = arith.constant 0 : i32
    %dma_start3A_529 = arith.constant 0 : i32
    %dma_start3A_530 = tpu.memref_slice %arg2[%dma_start3A_528, %dma_start3A_529] : memref<1000x128xf32, #tpu.memory_space<hbm>> -> memref<1000x128xf32, #tpu.memory_space<hbm>>
    tpu.enqueue_indirect_dma source(%dma_start3A_530 : memref<1000x128xf32, #tpu.memory_space<hbm>>) target(%dma_start3A_524 : memref<50x128xf32, #tpu.memory_space<vmem>>) offsets(%dma_start3A_527 : memref<50xi32, #tpu.memory_space<vmem>>) semaphore(%arg7 : memref<!tpu.dma_semaphore, #tpu.memory_space<semaphore_mem>>)
    %dma_start3A_531 = arith.constant 28 : i32
    %dma_start3A_532 = arith.constant 12 : i32
    %dma_start3A_533 = arith.constant 0 : i32
    %dma_start3A_534 = arith.constant 0 : i32
    %dma_start3A_535 = tpu.memref_slice %arg6[%dma_start3A_532, %dma_start3A_533, %dma_start3A_534] : memref<16x50x128xf32, #tpu.memory_space<vmem>> -> memref<1x50x128xf32, #tpu.memory_space<vmem>>
    %dma_start3A_536 = tpu.memref_squeeze %dma_start3A_535 : memref<1x50x128xf32, #tpu.memory_space<vmem>> -> memref<50x128xf32, #tpu.memory_space<vmem>>
    %dma_start3A_537 = arith.constant 0 : i32
    %dma_start3A_538 = tpu.memref_slice %arg5[%dma_start3A_531, %dma_start3A_537] : memref<32x50xi32, #tpu.memory_space<vmem>> -> memref<1x50xi32, #tpu.memory_space<vmem>>
    %dma_start3A_539 = tpu.memref_squeeze %dma_start3A_538 : memref<1x50xi32, #tpu.memory_space<vmem>> -> memref<50xi32, #tpu.memory_space<vmem>>
    %dma_start3A_540 = arith.constant 0 : i32
    %dma_start3A_541 = arith.constant 0 : i32
    %dma_start3A_542 = tpu.memref_slice %arg2[%dma_start3A_540, %dma_start3A_541] : memref<1000x128xf32, #tpu.memory_space<hbm>> -> memref<1000x128xf32, #tpu.memory_space<hbm>>
    tpu.enqueue_indirect_dma source(%dma_start3A_542 : memref<1000x128xf32, #tpu.memory_space<hbm>>) target(%dma_start3A_536 : memref<50x128xf32, #tpu.memory_space<vmem>>) offsets(%dma_start3A_539 : memref<50xi32, #tpu.memory_space<vmem>>) semaphore(%arg7 : memref<!tpu.dma_semaphore, #tpu.memory_space<semaphore_mem>>)
    %dma_start3A_543 = arith.constant 29 : i32
    %dma_start3A_544 = arith.constant 13 : i32
    %dma_start3A_545 = arith.constant 0 : i32
    %dma_start3A_546 = arith.constant 0 : i32
    %dma_start3A_547 = tpu.memref_slice %arg6[%dma_start3A_544, %dma_start3A_545, %dma_start3A_546] : memref<16x50x128xf32, #tpu.memory_space<vmem>> -> memref<1x50x128xf32, #tpu.memory_space<vmem>>
    %dma_start3A_548 = tpu.memref_squeeze %dma_start3A_547 : memref<1x50x128xf32, #tpu.memory_space<vmem>> -> memref<50x128xf32, #tpu.memory_space<vmem>>
    %dma_start3A_549 = arith.constant 0 : i32
    %dma_start3A_550 = tpu.memref_slice %arg5[%dma_start3A_543, %dma_start3A_549] : memref<32x50xi32, #tpu.memory_space<vmem>> -> memref<1x50xi32, #tpu.memory_space<vmem>>
    %dma_start3A_551 = tpu.memref_squeeze %dma_start3A_550 : memref<1x50xi32, #tpu.memory_space<vmem>> -> memref<50xi32, #tpu.memory_space<vmem>>
    %dma_start3A_552 = arith.constant 0 : i32
    %dma_start3A_553 = arith.constant 0 : i32
    %dma_start3A_554 = tpu.memref_slice %arg2[%dma_start3A_552, %dma_start3A_553] : memref<1000x128xf32, #tpu.memory_space<hbm>> -> memref<1000x128xf32, #tpu.memory_space<hbm>>
    tpu.enqueue_indirect_dma source(%dma_start3A_554 : memref<1000x128xf32, #tpu.memory_space<hbm>>) target(%dma_start3A_548 : memref<50x128xf32, #tpu.memory_space<vmem>>) offsets(%dma_start3A_551 : memref<50xi32, #tpu.memory_space<vmem>>) semaphore(%arg7 : memref<!tpu.dma_semaphore, #tpu.memory_space<semaphore_mem>>)
    %dma_start3A_555 = arith.constant 30 : i32
    %dma_start3A_556 = arith.constant 14 : i32
    %dma_start3A_557 = arith.constant 0 : i32
    %dma_start3A_558 = arith.constant 0 : i32
    %dma_start3A_559 = tpu.memref_slice %arg6[%dma_start3A_556, %dma_start3A_557, %dma_start3A_558] : memref<16x50x128xf32, #tpu.memory_space<vmem>> -> memref<1x50x128xf32, #tpu.memory_space<vmem>>
    %dma_start3A_560 = tpu.memref_squeeze %dma_start3A_559 : memref<1x50x128xf32, #tpu.memory_space<vmem>> -> memref<50x128xf32, #tpu.memory_space<vmem>>
    %dma_start3A_561 = arith.constant 0 : i32
    %dma_start3A_562 = tpu.memref_slice %arg5[%dma_start3A_555, %dma_start3A_561] : memref<32x50xi32, #tpu.memory_space<vmem>> -> memref<1x50xi32, #tpu.memory_space<vmem>>
    %dma_start3A_563 = tpu.memref_squeeze %dma_start3A_562 : memref<1x50xi32, #tpu.memory_space<vmem>> -> memref<50xi32, #tpu.memory_space<vmem>>
    %dma_start3A_564 = arith.constant 0 : i32
    %dma_start3A_565 = arith.constant 0 : i32
    %dma_start3A_566 = tpu.memref_slice %arg2[%dma_start3A_564, %dma_start3A_565] : memref<1000x128xf32, #tpu.memory_space<hbm>> -> memref<1000x128xf32, #tpu.memory_space<hbm>>
    tpu.enqueue_indirect_dma source(%dma_start3A_566 : memref<1000x128xf32, #tpu.memory_space<hbm>>) target(%dma_start3A_560 : memref<50x128xf32, #tpu.memory_space<vmem>>) offsets(%dma_start3A_563 : memref<50xi32, #tpu.memory_space<vmem>>) semaphore(%arg7 : memref<!tpu.dma_semaphore, #tpu.memory_space<semaphore_mem>>)
    %dma_start3A_567 = arith.constant 31 : i32
    %dma_start3A_568 = arith.constant 15 : i32
    %dma_start3A_569 = arith.constant 0 : i32
    %dma_start3A_570 = arith.constant 0 : i32
    %dma_start3A_571 = tpu.memref_slice %arg6[%dma_start3A_568, %dma_start3A_569, %dma_start3A_570] : memref<16x50x128xf32, #tpu.memory_space<vmem>> -> memref<1x50x128xf32, #tpu.memory_space<vmem>>
    %dma_start3A_572 = tpu.memref_squeeze %dma_start3A_571 : memref<1x50x128xf32, #tpu.memory_space<vmem>> -> memref<50x128xf32, #tpu.memory_space<vmem>>
    %dma_start3A_573 = arith.constant 0 : i32
    %dma_start3A_574 = tpu.memref_slice %arg5[%dma_start3A_567, %dma_start3A_573] : memref<32x50xi32, #tpu.memory_space<vmem>> -> memref<1x50xi32, #tpu.memory_space<vmem>>
    %dma_start3A_575 = tpu.memref_squeeze %dma_start3A_574 : memref<1x50xi32, #tpu.memory_space<vmem>> -> memref<50xi32, #tpu.memory_space<vmem>>
    %dma_start3A_576 = arith.constant 0 : i32
    %dma_start3A_577 = arith.constant 0 : i32
    %dma_start3A_578 = tpu.memref_slice %arg2[%dma_start3A_576, %dma_start3A_577] : memref<1000x128xf32, #tpu.memory_space<hbm>> -> memref<1000x128xf32, #tpu.memory_space<hbm>>
    tpu.enqueue_indirect_dma source(%dma_start3A_578 : memref<1000x128xf32, #tpu.memory_space<hbm>>) target(%dma_start3A_572 : memref<50x128xf32, #tpu.memory_space<vmem>>) offsets(%dma_start3A_575 : memref<50xi32, #tpu.memory_space<vmem>>) semaphore(%arg7 : memref<!tpu.dma_semaphore, #tpu.memory_space<semaphore_mem>>)
    %dma_wait3A_579 = arith.constant 16 : i32
    %dma_wait3A_580 = arith.constant 0 : i32
    %dma_wait3A_581 = arith.constant 0 : i32
    %dma_wait3A_582 = arith.constant 0 : i32
    %dma_wait3A_583 = tpu.memref_slice %arg6[%dma_wait3A_580, %dma_wait3A_581, %dma_wait3A_582] : memref<16x50x128xf32, #tpu.memory_space<vmem>> -> memref<1x50x128xf32, #tpu.memory_space<vmem>>
    %dma_wait3A_584 = tpu.memref_squeeze %dma_wait3A_583 : memref<1x50x128xf32, #tpu.memory_space<vmem>> -> memref<50x128xf32, #tpu.memory_space<vmem>>
    %dma_wait3A_585 = arith.constant 0 : i32
    %dma_wait3A_586 = tpu.memref_slice %arg5[%dma_wait3A_579, %dma_wait3A_585] : memref<32x50xi32, #tpu.memory_space<vmem>> -> memref<1x50xi32, #tpu.memory_space<vmem>>
    %dma_wait3A_587 = tpu.memref_squeeze %dma_wait3A_586 : memref<1x50xi32, #tpu.memory_space<vmem>> -> memref<50xi32, #tpu.memory_space<vmem>>
    %dma_wait3A_588 = arith.constant 0 : i32
    %dma_wait3A_589 = arith.constant 0 : i32
    %dma_wait3A_590 = tpu.memref_slice %arg2[%dma_wait3A_588, %dma_wait3A_589] : memref<1000x128xf32, #tpu.memory_space<hbm>> -> memref<1000x128xf32, #tpu.memory_space<hbm>>
    tpu.wait_indirect_dma semaphore(%arg7 : memref<!tpu.dma_semaphore, #tpu.memory_space<semaphore_mem>>) src(%dma_wait3A_590 : memref<1000x128xf32, #tpu.memory_space<hbm>>) dst(%dma_wait3A_584 : memref<50x128xf32, #tpu.memory_space<vmem>>)
    %dma_wait3A_591 = arith.constant 17 : i32
    %dma_wait3A_592 = arith.constant 1 : i32
    %dma_wait3A_593 = arith.constant 0 : i32
    %dma_wait3A_594 = arith.constant 0 : i32
    %dma_wait3A_595 = tpu.memref_slice %arg6[%dma_wait3A_592, %dma_wait3A_593, %dma_wait3A_594] : memref<16x50x128xf32, #tpu.memory_space<vmem>> -> memref<1x50x128xf32, #tpu.memory_space<vmem>>
    %dma_wait3A_596 = tpu.memref_squeeze %dma_wait3A_595 : memref<1x50x128xf32, #tpu.memory_space<vmem>> -> memref<50x128xf32, #tpu.memory_space<vmem>>
    %dma_wait3A_597 = arith.constant 0 : i32
    %dma_wait3A_598 = tpu.memref_slice %arg5[%dma_wait3A_591, %dma_wait3A_597] : memref<32x50xi32, #tpu.memory_space<vmem>> -> memref<1x50xi32, #tpu.memory_space<vmem>>
    %dma_wait3A_599 = tpu.memref_squeeze %dma_wait3A_598 : memref<1x50xi32, #tpu.memory_space<vmem>> -> memref<50xi32, #tpu.memory_space<vmem>>
    %dma_wait3A_600 = arith.constant 0 : i32
    %dma_wait3A_601 = arith.constant 0 : i32
    %dma_wait3A_602 = tpu.memref_slice %arg2[%dma_wait3A_600, %dma_wait3A_601] : memref<1000x128xf32, #tpu.memory_space<hbm>> -> memref<1000x128xf32, #tpu.memory_space<hbm>>
    tpu.wait_indirect_dma semaphore(%arg7 : memref<!tpu.dma_semaphore, #tpu.memory_space<semaphore_mem>>) src(%dma_wait3A_602 : memref<1000x128xf32, #tpu.memory_space<hbm>>) dst(%dma_wait3A_596 : memref<50x128xf32, #tpu.memory_space<vmem>>)
    %dma_wait3A_603 = arith.constant 18 : i32
    %dma_wait3A_604 = arith.constant 2 : i32
    %dma_wait3A_605 = arith.constant 0 : i32
    %dma_wait3A_606 = arith.constant 0 : i32
    %dma_wait3A_607 = tpu.memref_slice %arg6[%dma_wait3A_604, %dma_wait3A_605, %dma_wait3A_606] : memref<16x50x128xf32, #tpu.memory_space<vmem>> -> memref<1x50x128xf32, #tpu.memory_space<vmem>>
    %dma_wait3A_608 = tpu.memref_squeeze %dma_wait3A_607 : memref<1x50x128xf32, #tpu.memory_space<vmem>> -> memref<50x128xf32, #tpu.memory_space<vmem>>
    %dma_wait3A_609 = arith.constant 0 : i32
    %dma_wait3A_610 = tpu.memref_slice %arg5[%dma_wait3A_603, %dma_wait3A_609] : memref<32x50xi32, #tpu.memory_space<vmem>> -> memref<1x50xi32, #tpu.memory_space<vmem>>
    %dma_wait3A_611 = tpu.memref_squeeze %dma_wait3A_610 : memref<1x50xi32, #tpu.memory_space<vmem>> -> memref<50xi32, #tpu.memory_space<vmem>>
    %dma_wait3A_612 = arith.constant 0 : i32
    %dma_wait3A_613 = arith.constant 0 : i32
    %dma_wait3A_614 = tpu.memref_slice %arg2[%dma_wait3A_612, %dma_wait3A_613] : memref<1000x128xf32, #tpu.memory_space<hbm>> -> memref<1000x128xf32, #tpu.memory_space<hbm>>
    tpu.wait_indirect_dma semaphore(%arg7 : memref<!tpu.dma_semaphore, #tpu.memory_space<semaphore_mem>>) src(%dma_wait3A_614 : memref<1000x128xf32, #tpu.memory_space<hbm>>) dst(%dma_wait3A_608 : memref<50x128xf32, #tpu.memory_space<vmem>>)
    %dma_wait3A_615 = arith.constant 19 : i32
    %dma_wait3A_616 = arith.constant 3 : i32
    %dma_wait3A_617 = arith.constant 0 : i32
    %dma_wait3A_618 = arith.constant 0 : i32
    %dma_wait3A_619 = tpu.memref_slice %arg6[%dma_wait3A_616, %dma_wait3A_617, %dma_wait3A_618] : memref<16x50x128xf32, #tpu.memory_space<vmem>> -> memref<1x50x128xf32, #tpu.memory_space<vmem>>
    %dma_wait3A_620 = tpu.memref_squeeze %dma_wait3A_619 : memref<1x50x128xf32, #tpu.memory_space<vmem>> -> memref<50x128xf32, #tpu.memory_space<vmem>>
    %dma_wait3A_621 = arith.constant 0 : i32
    %dma_wait3A_622 = tpu.memref_slice %arg5[%dma_wait3A_615, %dma_wait3A_621] : memref<32x50xi32, #tpu.memory_space<vmem>> -> memref<1x50xi32, #tpu.memory_space<vmem>>
    %dma_wait3A_623 = tpu.memref_squeeze %dma_wait3A_622 : memref<1x50xi32, #tpu.memory_space<vmem>> -> memref<50xi32, #tpu.memory_space<vmem>>
    %dma_wait3A_624 = arith.constant 0 : i32
    %dma_wait3A_625 = arith.constant 0 : i32
    %dma_wait3A_626 = tpu.memref_slice %arg2[%dma_wait3A_624, %dma_wait3A_625] : memref<1000x128xf32, #tpu.memory_space<hbm>> -> memref<1000x128xf32, #tpu.memory_space<hbm>>
    tpu.wait_indirect_dma semaphore(%arg7 : memref<!tpu.dma_semaphore, #tpu.memory_space<semaphore_mem>>) src(%dma_wait3A_626 : memref<1000x128xf32, #tpu.memory_space<hbm>>) dst(%dma_wait3A_620 : memref<50x128xf32, #tpu.memory_space<vmem>>)
    %dma_wait3A_627 = arith.constant 20 : i32
    %dma_wait3A_628 = arith.constant 4 : i32
    %dma_wait3A_629 = arith.constant 0 : i32
    %dma_wait3A_630 = arith.constant 0 : i32
    %dma_wait3A_631 = tpu.memref_slice %arg6[%dma_wait3A_628, %dma_wait3A_629, %dma_wait3A_630] : memref<16x50x128xf32, #tpu.memory_space<vmem>> -> memref<1x50x128xf32, #tpu.memory_space<vmem>>
    %dma_wait3A_632 = tpu.memref_squeeze %dma_wait3A_631 : memref<1x50x128xf32, #tpu.memory_space<vmem>> -> memref<50x128xf32, #tpu.memory_space<vmem>>
    %dma_wait3A_633 = arith.constant 0 : i32
    %dma_wait3A_634 = tpu.memref_slice %arg5[%dma_wait3A_627, %dma_wait3A_633] : memref<32x50xi32, #tpu.memory_space<vmem>> -> memref<1x50xi32, #tpu.memory_space<vmem>>
    %dma_wait3A_635 = tpu.memref_squeeze %dma_wait3A_634 : memref<1x50xi32, #tpu.memory_space<vmem>> -> memref<50xi32, #tpu.memory_space<vmem>>
    %dma_wait3A_636 = arith.constant 0 : i32
    %dma_wait3A_637 = arith.constant 0 : i32
    %dma_wait3A_638 = tpu.memref_slice %arg2[%dma_wait3A_636, %dma_wait3A_637] : memref<1000x128xf32, #tpu.memory_space<hbm>> -> memref<1000x128xf32, #tpu.memory_space<hbm>>
    tpu.wait_indirect_dma semaphore(%arg7 : memref<!tpu.dma_semaphore, #tpu.memory_space<semaphore_mem>>) src(%dma_wait3A_638 : memref<1000x128xf32, #tpu.memory_space<hbm>>) dst(%dma_wait3A_632 : memref<50x128xf32, #tpu.memory_space<vmem>>)
    %dma_wait3A_639 = arith.constant 21 : i32
    %dma_wait3A_640 = arith.constant 5 : i32
    %dma_wait3A_641 = arith.constant 0 : i32
    %dma_wait3A_642 = arith.constant 0 : i32
    %dma_wait3A_643 = tpu.memref_slice %arg6[%dma_wait3A_640, %dma_wait3A_641, %dma_wait3A_642] : memref<16x50x128xf32, #tpu.memory_space<vmem>> -> memref<1x50x128xf32, #tpu.memory_space<vmem>>
    %dma_wait3A_644 = tpu.memref_squeeze %dma_wait3A_643 : memref<1x50x128xf32, #tpu.memory_space<vmem>> -> memref<50x128xf32, #tpu.memory_space<vmem>>
    %dma_wait3A_645 = arith.constant 0 : i32
    %dma_wait3A_646 = tpu.memref_slice %arg5[%dma_wait3A_639, %dma_wait3A_645] : memref<32x50xi32, #tpu.memory_space<vmem>> -> memref<1x50xi32, #tpu.memory_space<vmem>>
    %dma_wait3A_647 = tpu.memref_squeeze %dma_wait3A_646 : memref<1x50xi32, #tpu.memory_space<vmem>> -> memref<50xi32, #tpu.memory_space<vmem>>
    %dma_wait3A_648 = arith.constant 0 : i32
    %dma_wait3A_649 = arith.constant 0 : i32
    %dma_wait3A_650 = tpu.memref_slice %arg2[%dma_wait3A_648, %dma_wait3A_649] : memref<1000x128xf32, #tpu.memory_space<hbm>> -> memref<1000x128xf32, #tpu.memory_space<hbm>>
    tpu.wait_indirect_dma semaphore(%arg7 : memref<!tpu.dma_semaphore, #tpu.memory_space<semaphore_mem>>) src(%dma_wait3A_650 : memref<1000x128xf32, #tpu.memory_space<hbm>>) dst(%dma_wait3A_644 : memref<50x128xf32, #tpu.memory_space<vmem>>)
    %dma_wait3A_651 = arith.constant 22 : i32
    %dma_wait3A_652 = arith.constant 6 : i32
    %dma_wait3A_653 = arith.constant 0 : i32
    %dma_wait3A_654 = arith.constant 0 : i32
    %dma_wait3A_655 = tpu.memref_slice %arg6[%dma_wait3A_652, %dma_wait3A_653, %dma_wait3A_654] : memref<16x50x128xf32, #tpu.memory_space<vmem>> -> memref<1x50x128xf32, #tpu.memory_space<vmem>>
    %dma_wait3A_656 = tpu.memref_squeeze %dma_wait3A_655 : memref<1x50x128xf32, #tpu.memory_space<vmem>> -> memref<50x128xf32, #tpu.memory_space<vmem>>
    %dma_wait3A_657 = arith.constant 0 : i32
    %dma_wait3A_658 = tpu.memref_slice %arg5[%dma_wait3A_651, %dma_wait3A_657] : memref<32x50xi32, #tpu.memory_space<vmem>> -> memref<1x50xi32, #tpu.memory_space<vmem>>
    %dma_wait3A_659 = tpu.memref_squeeze %dma_wait3A_658 : memref<1x50xi32, #tpu.memory_space<vmem>> -> memref<50xi32, #tpu.memory_space<vmem>>
    %dma_wait3A_660 = arith.constant 0 : i32
    %dma_wait3A_661 = arith.constant 0 : i32
    %dma_wait3A_662 = tpu.memref_slice %arg2[%dma_wait3A_660, %dma_wait3A_661] : memref<1000x128xf32, #tpu.memory_space<hbm>> -> memref<1000x128xf32, #tpu.memory_space<hbm>>
    tpu.wait_indirect_dma semaphore(%arg7 : memref<!tpu.dma_semaphore, #tpu.memory_space<semaphore_mem>>) src(%dma_wait3A_662 : memref<1000x128xf32, #tpu.memory_space<hbm>>) dst(%dma_wait3A_656 : memref<50x128xf32, #tpu.memory_space<vmem>>)
    %dma_wait3A_663 = arith.constant 23 : i32
    %dma_wait3A_664 = arith.constant 7 : i32
    %dma_wait3A_665 = arith.constant 0 : i32
    %dma_wait3A_666 = arith.constant 0 : i32
    %dma_wait3A_667 = tpu.memref_slice %arg6[%dma_wait3A_664, %dma_wait3A_665, %dma_wait3A_666] : memref<16x50x128xf32, #tpu.memory_space<vmem>> -> memref<1x50x128xf32, #tpu.memory_space<vmem>>
    %dma_wait3A_668 = tpu.memref_squeeze %dma_wait3A_667 : memref<1x50x128xf32, #tpu.memory_space<vmem>> -> memref<50x128xf32, #tpu.memory_space<vmem>>
    %dma_wait3A_669 = arith.constant 0 : i32
    %dma_wait3A_670 = tpu.memref_slice %arg5[%dma_wait3A_663, %dma_wait3A_669] : memref<32x50xi32, #tpu.memory_space<vmem>> -> memref<1x50xi32, #tpu.memory_space<vmem>>
    %dma_wait3A_671 = tpu.memref_squeeze %dma_wait3A_670 : memref<1x50xi32, #tpu.memory_space<vmem>> -> memref<50xi32, #tpu.memory_space<vmem>>
    %dma_wait3A_672 = arith.constant 0 : i32
    %dma_wait3A_673 = arith.constant 0 : i32
    %dma_wait3A_674 = tpu.memref_slice %arg2[%dma_wait3A_672, %dma_wait3A_673] : memref<1000x128xf32, #tpu.memory_space<hbm>> -> memref<1000x128xf32, #tpu.memory_space<hbm>>
    tpu.wait_indirect_dma semaphore(%arg7 : memref<!tpu.dma_semaphore, #tpu.memory_space<semaphore_mem>>) src(%dma_wait3A_674 : memref<1000x128xf32, #tpu.memory_space<hbm>>) dst(%dma_wait3A_668 : memref<50x128xf32, #tpu.memory_space<vmem>>)
    %dma_wait3A_675 = arith.constant 24 : i32
    %dma_wait3A_676 = arith.constant 8 : i32
    %dma_wait3A_677 = arith.constant 0 : i32
    %dma_wait3A_678 = arith.constant 0 : i32
    %dma_wait3A_679 = tpu.memref_slice %arg6[%dma_wait3A_676, %dma_wait3A_677, %dma_wait3A_678] : memref<16x50x128xf32, #tpu.memory_space<vmem>> -> memref<1x50x128xf32, #tpu.memory_space<vmem>>
    %dma_wait3A_680 = tpu.memref_squeeze %dma_wait3A_679 : memref<1x50x128xf32, #tpu.memory_space<vmem>> -> memref<50x128xf32, #tpu.memory_space<vmem>>
    %dma_wait3A_681 = arith.constant 0 : i32
    %dma_wait3A_682 = tpu.memref_slice %arg5[%dma_wait3A_675, %dma_wait3A_681] : memref<32x50xi32, #tpu.memory_space<vmem>> -> memref<1x50xi32, #tpu.memory_space<vmem>>
    %dma_wait3A_683 = tpu.memref_squeeze %dma_wait3A_682 : memref<1x50xi32, #tpu.memory_space<vmem>> -> memref<50xi32, #tpu.memory_space<vmem>>
    %dma_wait3A_684 = arith.constant 0 : i32
    %dma_wait3A_685 = arith.constant 0 : i32
    %dma_wait3A_686 = tpu.memref_slice %arg2[%dma_wait3A_684, %dma_wait3A_685] : memref<1000x128xf32, #tpu.memory_space<hbm>> -> memref<1000x128xf32, #tpu.memory_space<hbm>>
    tpu.wait_indirect_dma semaphore(%arg7 : memref<!tpu.dma_semaphore, #tpu.memory_space<semaphore_mem>>) src(%dma_wait3A_686 : memref<1000x128xf32, #tpu.memory_space<hbm>>) dst(%dma_wait3A_680 : memref<50x128xf32, #tpu.memory_space<vmem>>)
    %dma_wait3A_687 = arith.constant 25 : i32
    %dma_wait3A_688 = arith.constant 9 : i32
    %dma_wait3A_689 = arith.constant 0 : i32
    %dma_wait3A_690 = arith.constant 0 : i32
    %dma_wait3A_691 = tpu.memref_slice %arg6[%dma_wait3A_688, %dma_wait3A_689, %dma_wait3A_690] : memref<16x50x128xf32, #tpu.memory_space<vmem>> -> memref<1x50x128xf32, #tpu.memory_space<vmem>>
    %dma_wait3A_692 = tpu.memref_squeeze %dma_wait3A_691 : memref<1x50x128xf32, #tpu.memory_space<vmem>> -> memref<50x128xf32, #tpu.memory_space<vmem>>
    %dma_wait3A_693 = arith.constant 0 : i32
    %dma_wait3A_694 = tpu.memref_slice %arg5[%dma_wait3A_687, %dma_wait3A_693] : memref<32x50xi32, #tpu.memory_space<vmem>> -> memref<1x50xi32, #tpu.memory_space<vmem>>
    %dma_wait3A_695 = tpu.memref_squeeze %dma_wait3A_694 : memref<1x50xi32, #tpu.memory_space<vmem>> -> memref<50xi32, #tpu.memory_space<vmem>>
    %dma_wait3A_696 = arith.constant 0 : i32
    %dma_wait3A_697 = arith.constant 0 : i32
    %dma_wait3A_698 = tpu.memref_slice %arg2[%dma_wait3A_696, %dma_wait3A_697] : memref<1000x128xf32, #tpu.memory_space<hbm>> -> memref<1000x128xf32, #tpu.memory_space<hbm>>
    tpu.wait_indirect_dma semaphore(%arg7 : memref<!tpu.dma_semaphore, #tpu.memory_space<semaphore_mem>>) src(%dma_wait3A_698 : memref<1000x128xf32, #tpu.memory_space<hbm>>) dst(%dma_wait3A_692 : memref<50x128xf32, #tpu.memory_space<vmem>>)
    %dma_wait3A_699 = arith.constant 26 : i32
    %dma_wait3A_700 = arith.constant 10 : i32
    %dma_wait3A_701 = arith.constant 0 : i32
    %dma_wait3A_702 = arith.constant 0 : i32
    %dma_wait3A_703 = tpu.memref_slice %arg6[%dma_wait3A_700, %dma_wait3A_701, %dma_wait3A_702] : memref<16x50x128xf32, #tpu.memory_space<vmem>> -> memref<1x50x128xf32, #tpu.memory_space<vmem>>
    %dma_wait3A_704 = tpu.memref_squeeze %dma_wait3A_703 : memref<1x50x128xf32, #tpu.memory_space<vmem>> -> memref<50x128xf32, #tpu.memory_space<vmem>>
    %dma_wait3A_705 = arith.constant 0 : i32
    %dma_wait3A_706 = tpu.memref_slice %arg5[%dma_wait3A_699, %dma_wait3A_705] : memref<32x50xi32, #tpu.memory_space<vmem>> -> memref<1x50xi32, #tpu.memory_space<vmem>>
    %dma_wait3A_707 = tpu.memref_squeeze %dma_wait3A_706 : memref<1x50xi32, #tpu.memory_space<vmem>> -> memref<50xi32, #tpu.memory_space<vmem>>
    %dma_wait3A_708 = arith.constant 0 : i32
    %dma_wait3A_709 = arith.constant 0 : i32
    %dma_wait3A_710 = tpu.memref_slice %arg2[%dma_wait3A_708, %dma_wait3A_709] : memref<1000x128xf32, #tpu.memory_space<hbm>> -> memref<1000x128xf32, #tpu.memory_space<hbm>>
    tpu.wait_indirect_dma semaphore(%arg7 : memref<!tpu.dma_semaphore, #tpu.memory_space<semaphore_mem>>) src(%dma_wait3A_710 : memref<1000x128xf32, #tpu.memory_space<hbm>>) dst(%dma_wait3A_704 : memref<50x128xf32, #tpu.memory_space<vmem>>)
    %dma_wait3A_711 = arith.constant 27 : i32
    %dma_wait3A_712 = arith.constant 11 : i32
    %dma_wait3A_713 = arith.constant 0 : i32
    %dma_wait3A_714 = arith.constant 0 : i32
    %dma_wait3A_715 = tpu.memref_slice %arg6[%dma_wait3A_712, %dma_wait3A_713, %dma_wait3A_714] : memref<16x50x128xf32, #tpu.memory_space<vmem>> -> memref<1x50x128xf32, #tpu.memory_space<vmem>>
    %dma_wait3A_716 = tpu.memref_squeeze %dma_wait3A_715 : memref<1x50x128xf32, #tpu.memory_space<vmem>> -> memref<50x128xf32, #tpu.memory_space<vmem>>
    %dma_wait3A_717 = arith.constant 0 : i32
    %dma_wait3A_718 = tpu.memref_slice %arg5[%dma_wait3A_711, %dma_wait3A_717] : memref<32x50xi32, #tpu.memory_space<vmem>> -> memref<1x50xi32, #tpu.memory_space<vmem>>
    %dma_wait3A_719 = tpu.memref_squeeze %dma_wait3A_718 : memref<1x50xi32, #tpu.memory_space<vmem>> -> memref<50xi32, #tpu.memory_space<vmem>>
    %dma_wait3A_720 = arith.constant 0 : i32
    %dma_wait3A_721 = arith.constant 0 : i32
    %dma_wait3A_722 = tpu.memref_slice %arg2[%dma_wait3A_720, %dma_wait3A_721] : memref<1000x128xf32, #tpu.memory_space<hbm>> -> memref<1000x128xf32, #tpu.memory_space<hbm>>
    tpu.wait_indirect_dma semaphore(%arg7 : memref<!tpu.dma_semaphore, #tpu.memory_space<semaphore_mem>>) src(%dma_wait3A_722 : memref<1000x128xf32, #tpu.memory_space<hbm>>) dst(%dma_wait3A_716 : memref<50x128xf32, #tpu.memory_space<vmem>>)
    %dma_wait3A_723 = arith.constant 28 : i32
    %dma_wait3A_724 = arith.constant 12 : i32
    %dma_wait3A_725 = arith.constant 0 : i32
    %dma_wait3A_726 = arith.constant 0 : i32
    %dma_wait3A_727 = tpu.memref_slice %arg6[%dma_wait3A_724, %dma_wait3A_725, %dma_wait3A_726] : memref<16x50x128xf32, #tpu.memory_space<vmem>> -> memref<1x50x128xf32, #tpu.memory_space<vmem>>
    %dma_wait3A_728 = tpu.memref_squeeze %dma_wait3A_727 : memref<1x50x128xf32, #tpu.memory_space<vmem>> -> memref<50x128xf32, #tpu.memory_space<vmem>>
    %dma_wait3A_729 = arith.constant 0 : i32
    %dma_wait3A_730 = tpu.memref_slice %arg5[%dma_wait3A_723, %dma_wait3A_729] : memref<32x50xi32, #tpu.memory_space<vmem>> -> memref<1x50xi32, #tpu.memory_space<vmem>>
    %dma_wait3A_731 = tpu.memref_squeeze %dma_wait3A_730 : memref<1x50xi32, #tpu.memory_space<vmem>> -> memref<50xi32, #tpu.memory_space<vmem>>
    %dma_wait3A_732 = arith.constant 0 : i32
    %dma_wait3A_733 = arith.constant 0 : i32
    %dma_wait3A_734 = tpu.memref_slice %arg2[%dma_wait3A_732, %dma_wait3A_733] : memref<1000x128xf32, #tpu.memory_space<hbm>> -> memref<1000x128xf32, #tpu.memory_space<hbm>>
    tpu.wait_indirect_dma semaphore(%arg7 : memref<!tpu.dma_semaphore, #tpu.memory_space<semaphore_mem>>) src(%dma_wait3A_734 : memref<1000x128xf32, #tpu.memory_space<hbm>>) dst(%dma_wait3A_728 : memref<50x128xf32, #tpu.memory_space<vmem>>)
    %dma_wait3A_735 = arith.constant 29 : i32
    %dma_wait3A_736 = arith.constant 13 : i32
    %dma_wait3A_737 = arith.constant 0 : i32
    %dma_wait3A_738 = arith.constant 0 : i32
    %dma_wait3A_739 = tpu.memref_slice %arg6[%dma_wait3A_736, %dma_wait3A_737, %dma_wait3A_738] : memref<16x50x128xf32, #tpu.memory_space<vmem>> -> memref<1x50x128xf32, #tpu.memory_space<vmem>>
    %dma_wait3A_740 = tpu.memref_squeeze %dma_wait3A_739 : memref<1x50x128xf32, #tpu.memory_space<vmem>> -> memref<50x128xf32, #tpu.memory_space<vmem>>
    %dma_wait3A_741 = arith.constant 0 : i32
    %dma_wait3A_742 = tpu.memref_slice %arg5[%dma_wait3A_735, %dma_wait3A_741] : memref<32x50xi32, #tpu.memory_space<vmem>> -> memref<1x50xi32, #tpu.memory_space<vmem>>
    %dma_wait3A_743 = tpu.memref_squeeze %dma_wait3A_742 : memref<1x50xi32, #tpu.memory_space<vmem>> -> memref<50xi32, #tpu.memory_space<vmem>>
    %dma_wait3A_744 = arith.constant 0 : i32
    %dma_wait3A_745 = arith.constant 0 : i32
    %dma_wait3A_746 = tpu.memref_slice %arg2[%dma_wait3A_744, %dma_wait3A_745] : memref<1000x128xf32, #tpu.memory_space<hbm>> -> memref<1000x128xf32, #tpu.memory_space<hbm>>
    tpu.wait_indirect_dma semaphore(%arg7 : memref<!tpu.dma_semaphore, #tpu.memory_space<semaphore_mem>>) src(%dma_wait3A_746 : memref<1000x128xf32, #tpu.memory_space<hbm>>) dst(%dma_wait3A_740 : memref<50x128xf32, #tpu.memory_space<vmem>>)
    %dma_wait3A_747 = arith.constant 30 : i32
    %dma_wait3A_748 = arith.constant 14 : i32
    %dma_wait3A_749 = arith.constant 0 : i32
    %dma_wait3A_750 = arith.constant 0 : i32
    %dma_wait3A_751 = tpu.memref_slice %arg6[%dma_wait3A_748, %dma_wait3A_749, %dma_wait3A_750] : memref<16x50x128xf32, #tpu.memory_space<vmem>> -> memref<1x50x128xf32, #tpu.memory_space<vmem>>
    %dma_wait3A_752 = tpu.memref_squeeze %dma_wait3A_751 : memref<1x50x128xf32, #tpu.memory_space<vmem>> -> memref<50x128xf32, #tpu.memory_space<vmem>>
    %dma_wait3A_753 = arith.constant 0 : i32
    %dma_wait3A_754 = tpu.memref_slice %arg5[%dma_wait3A_747, %dma_wait3A_753] : memref<32x50xi32, #tpu.memory_space<vmem>> -> memref<1x50xi32, #tpu.memory_space<vmem>>
    %dma_wait3A_755 = tpu.memref_squeeze %dma_wait3A_754 : memref<1x50xi32, #tpu.memory_space<vmem>> -> memref<50xi32, #tpu.memory_space<vmem>>
    %dma_wait3A_756 = arith.constant 0 : i32
    %dma_wait3A_757 = arith.constant 0 : i32
    %dma_wait3A_758 = tpu.memref_slice %arg2[%dma_wait3A_756, %dma_wait3A_757] : memref<1000x128xf32, #tpu.memory_space<hbm>> -> memref<1000x128xf32, #tpu.memory_space<hbm>>
    tpu.wait_indirect_dma semaphore(%arg7 : memref<!tpu.dma_semaphore, #tpu.memory_space<semaphore_mem>>) src(%dma_wait3A_758 : memref<1000x128xf32, #tpu.memory_space<hbm>>) dst(%dma_wait3A_752 : memref<50x128xf32, #tpu.memory_space<vmem>>)
    %dma_wait3A_759 = arith.constant 31 : i32
    %dma_wait3A_760 = arith.constant 15 : i32
    %dma_wait3A_761 = arith.constant 0 : i32
    %dma_wait3A_762 = arith.constant 0 : i32
    %dma_wait3A_763 = tpu.memref_slice %arg6[%dma_wait3A_760, %dma_wait3A_761, %dma_wait3A_762] : memref<16x50x128xf32, #tpu.memory_space<vmem>> -> memref<1x50x128xf32, #tpu.memory_space<vmem>>
    %dma_wait3A_764 = tpu.memref_squeeze %dma_wait3A_763 : memref<1x50x128xf32, #tpu.memory_space<vmem>> -> memref<50x128xf32, #tpu.memory_space<vmem>>
    %dma_wait3A_765 = arith.constant 0 : i32
    %dma_wait3A_766 = tpu.memref_slice %arg5[%dma_wait3A_759, %dma_wait3A_765] : memref<32x50xi32, #tpu.memory_space<vmem>> -> memref<1x50xi32, #tpu.memory_space<vmem>>
    %dma_wait3A_767 = tpu.memref_squeeze %dma_wait3A_766 : memref<1x50xi32, #tpu.memory_space<vmem>> -> memref<50xi32, #tpu.memory_space<vmem>>
    %dma_wait3A_768 = arith.constant 0 : i32
    %dma_wait3A_769 = arith.constant 0 : i32
    %dma_wait3A_770 = tpu.memref_slice %arg2[%dma_wait3A_768, %dma_wait3A_769] : memref<1000x128xf32, #tpu.memory_space<hbm>> -> memref<1000x128xf32, #tpu.memory_space<hbm>>
    tpu.wait_indirect_dma semaphore(%arg7 : memref<!tpu.dma_semaphore, #tpu.memory_space<semaphore_mem>>) src(%dma_wait3A_770 : memref<1000x128xf32, #tpu.memory_space<hbm>>) dst(%dma_wait3A_764 : memref<50x128xf32, #tpu.memory_space<vmem>>)
    %add3A_771 = arith.constant 16 : i32
    %add3A_772 = arith.addi %mul3A_2, %add3A_771 : i32
    "tpu.region"() ({
      %run_scoped3A = tpu.sem_alloc : memref<!tpu.dma_semaphore, #tpu.memory_space<semaphore_mem>>
      %dma_start3A_773 = arith.constant 0 : i32
      %dma_start3A_774 = arith.constant 0 : i32
      %dma_start3A_775 = tpu.memref_slice %arg4[%add3A_772, %dma_start3A_773, %dma_start3A_774] : memref<1024x50x128xf32, #tpu.memory_space<hbm>> -> memref<16x50x128xf32, #tpu.memory_space<hbm>>
      %dma_start3A_776 = arith.constant 0 : i32
      %dma_start3A_777 = arith.constant 0 : i32
      %dma_start3A_778 = tpu.memref_slice %arg4[%add3A_772, %dma_start3A_776, %dma_start3A_777] : memref<1024x50x128xf32, #tpu.memory_space<hbm>> -> memref<16x50x128xf32, #tpu.memory_space<hbm>>
      tpu.enqueue_dma source(%arg6 : memref<16x50x128xf32, #tpu.memory_space<vmem>>) target(%dma_start3A_778 : memref<16x50x128xf32, #tpu.memory_space<hbm>>) target_semaphore(%run_scoped3A : memref<!tpu.dma_semaphore, #tpu.memory_space<semaphore_mem>>)
      %dma_wait3A_779 = arith.constant 0 : i32
      %dma_wait3A_780 = arith.constant 0 : i32
      %dma_wait3A_781 = tpu.memref_slice %arg4[%add3A_772, %dma_wait3A_779, %dma_wait3A_780] : memref<1024x50x128xf32, #tpu.memory_space<hbm>> -> memref<16x50x128xf32, #tpu.memory_space<hbm>>
      %dma_wait3A_782 = arith.constant 0 : i32
      %dma_wait3A_783 = arith.constant 0 : i32
      %dma_wait3A_784 = tpu.memref_slice %arg4[%add3A_772, %dma_wait3A_782, %dma_wait3A_783] : memref<1024x50x128xf32, #tpu.memory_space<hbm>> -> memref<16x50x128xf32, #tpu.memory_space<hbm>>
      tpu.wait_dma2 semaphore(%run_scoped3A : memref<!tpu.dma_semaphore, #tpu.memory_space<semaphore_mem>>) src(%arg6 : memref<16x50x128xf32, #tpu.memory_space<vmem>>) dst(%dma_wait3A_784 : memref<16x50x128xf32, #tpu.memory_space<hbm>>)
      tpu.yield
    }) : () -> ()
    return
  }
}

module attributes {stable_mosaic.version = 14 : i64} {
  func.func @head(%arg0: i32, %arg1: memref<16x50x128xf32, #tpu.memory_space<vmem>>, %arg2: memref<50x128xf32, #tpu.memory_space<vmem>>, %arg3: memref<128x1000xf32, #tpu.memory_space<vmem>>, %arg4: memref<1x1000xf32, #tpu.memory_space<vmem>>, %arg5: memref<16x50x1000xf32, #tpu.memory_space<vmem>>) attributes {dimension_semantics = [#tpu.dimension_semantics<arbitrary>], iteration_bounds = array<i64: 64>, scalar_prefetch = 0 : i64, scratch_operands = 0 : i64, tpu.core_type = #tpu.core_type<tc>, window_params = [{transform_indices = @transform_0, window_bounds = array<i64: 16, 50, 128>}, {pipeline_mode = #tpu.pipeline_mode<synchronous>, transform_indices = @transform_1, window_bounds = array<i64: 50, 128>}, {pipeline_mode = #tpu.pipeline_mode<synchronous>, transform_indices = @transform_2, window_bounds = array<i64: 128, 1000>}, {pipeline_mode = #tpu.pipeline_mode<synchronous>, transform_indices = @transform_3, window_bounds = array<i64: 1, 1000>}, {transform_indices = @transform_4, window_bounds = array<i64: 16, 50, 1000>}]} {
    %get3A = arith.constant 0 : index
    %get3A_0 = arith.constant 0 : index
    %get3A_1 = vector.load %arg2[%get3A, %get3A_0] : memref<50x128xf32, #tpu.memory_space<vmem>>, vector<50x128xf32>
    %get3A_2 = arith.constant 0 : index
    %get3A_3 = arith.constant 0 : index
    %get3A_4 = vector.load %arg3[%get3A_2, %get3A_3] : memref<128x1000xf32, #tpu.memory_space<vmem>>, vector<128x1000xf32>
    %get3A_5 = arith.constant 0 : index
    %get3A_6 = arith.constant 0 : index
    %get3A_7 = vector.load %arg4[%get3A_5, %get3A_6] : memref<1x1000xf32, #tpu.memory_space<vmem>>, vector<1x1000xf32>
    %get3A_8 = arith.constant 0 : index
    %get3A_9 = arith.constant 0 : index
    %get3A_10 = arith.constant 0 : index
    %get3A_11 = vector.load %arg1[%get3A_8, %get3A_9, %get3A_10] : memref<16x50x128xf32, #tpu.memory_space<vmem>>, vector<1x50x128xf32>
    %get3A_12 = vector.shape_cast %get3A_11 : vector<1x50x128xf32> to vector<50x128xf32>
    %add3A = arith.addf %get3A_12, %get3A_1 : vector<50x128xf32>
    %dot_general3A = arith.constant dense<0.000000e+00> : vector<50x1000xf32>
    %dot_general3A_13 = tpu.matmul %add3A, %get3A_4, %dot_general3A {dimension_numbers = #tpu.dot_dimension_numbers<[1], [0], [0], [1], [0, 0, 1, 1], [], []>, transpose_lhs_hint = false} : vector<50x128xf32>, vector<128x1000xf32>, vector<50x1000xf32> -> vector<50x1000xf32>
    %add3A_14 = vector.broadcast %get3A_7 : vector<1x1000xf32> to vector<50x1000xf32>
    %add3A_15 = arith.addf %dot_general3A_13, %add3A_14 : vector<50x1000xf32>
    %swap3A = arith.constant 0 : index
    %swap3A_16 = arith.constant 0 : index
    %swap3A_17 = arith.constant 0 : index
    %swap3A_18 = vector.load %arg5[%swap3A, %swap3A_16, %swap3A_17] : memref<16x50x1000xf32, #tpu.memory_space<vmem>>, vector<1x50x1000xf32>
    %swap3A_19 = vector.shape_cast %swap3A_18 : vector<1x50x1000xf32> to vector<50x1000xf32>
    %swap3A_20 = vector.shape_cast %add3A_15 : vector<50x1000xf32> to vector<1x50x1000xf32>
    tpu.vector_store %arg5[%swap3A, %swap3A_16, %swap3A_17], %swap3A_20 {strides = array<i32>} : memref<16x50x1000xf32, #tpu.memory_space<vmem>>, vector<1x50x1000xf32>,
    %get3A_21 = arith.constant 1 : index
    %get3A_22 = arith.constant 0 : index
    %get3A_23 = arith.constant 0 : index
    %get3A_24 = vector.load %arg1[%get3A_21, %get3A_22, %get3A_23] : memref<16x50x128xf32, #tpu.memory_space<vmem>>, vector<1x50x128xf32>
    %get3A_25 = vector.shape_cast %get3A_24 : vector<1x50x128xf32> to vector<50x128xf32>
    %add3A_26 = arith.addf %get3A_25, %get3A_1 : vector<50x128xf32>
    %dot_general3A_27 = arith.constant dense<0.000000e+00> : vector<50x1000xf32>
    %dot_general3A_28 = tpu.matmul %add3A_26, %get3A_4, %dot_general3A_27 {dimension_numbers = #tpu.dot_dimension_numbers<[1], [0], [0], [1], [0, 0, 1, 1], [], []>, transpose_lhs_hint = false} : vector<50x128xf32>, vector<128x1000xf32>, vector<50x1000xf32> -> vector<50x1000xf32>
    %add3A_29 = vector.broadcast %get3A_7 : vector<1x1000xf32> to vector<50x1000xf32>
    %add3A_30 = arith.addf %dot_general3A_28, %add3A_29 : vector<50x1000xf32>
    %swap3A_31 = arith.constant 1 : index
    %swap3A_32 = arith.constant 0 : index
    %swap3A_33 = arith.constant 0 : index
    %swap3A_34 = vector.load %arg5[%swap3A_31, %swap3A_32, %swap3A_33] : memref<16x50x1000xf32, #tpu.memory_space<vmem>>, vector<1x50x1000xf32>
    %swap3A_35 = vector.shape_cast %swap3A_34 : vector<1x50x1000xf32> to vector<50x1000xf32>
    %swap3A_36 = vector.shape_cast %add3A_30 : vector<50x1000xf32> to vector<1x50x1000xf32>
    tpu.vector_store %arg5[%swap3A_31, %swap3A_32, %swap3A_33], %swap3A_36 {strides = array<i32>} : memref<16x50x1000xf32, #tpu.memory_space<vmem>>, vector<1x50x1000xf32>,
    %get3A_37 = arith.constant 2 : index
    %get3A_38 = arith.constant 0 : index
    %get3A_39 = arith.constant 0 : index
    %get3A_40 = vector.load %arg1[%get3A_37, %get3A_38, %get3A_39] : memref<16x50x128xf32, #tpu.memory_space<vmem>>, vector<1x50x128xf32>
    %get3A_41 = vector.shape_cast %get3A_40 : vector<1x50x128xf32> to vector<50x128xf32>
    %add3A_42 = arith.addf %get3A_41, %get3A_1 : vector<50x128xf32>
    %dot_general3A_43 = arith.constant dense<0.000000e+00> : vector<50x1000xf32>
    %dot_general3A_44 = tpu.matmul %add3A_42, %get3A_4, %dot_general3A_43 {dimension_numbers = #tpu.dot_dimension_numbers<[1], [0], [0], [1], [0, 0, 1, 1], [], []>, transpose_lhs_hint = false} : vector<50x128xf32>, vector<128x1000xf32>, vector<50x1000xf32> -> vector<50x1000xf32>
    %add3A_45 = vector.broadcast %get3A_7 : vector<1x1000xf32> to vector<50x1000xf32>
    %add3A_46 = arith.addf %dot_general3A_44, %add3A_45 : vector<50x1000xf32>
    %swap3A_47 = arith.constant 2 : index
    %swap3A_48 = arith.constant 0 : index
    %swap3A_49 = arith.constant 0 : index
    %swap3A_50 = vector.load %arg5[%swap3A_47, %swap3A_48, %swap3A_49] : memref<16x50x1000xf32, #tpu.memory_space<vmem>>, vector<1x50x1000xf32>
    %swap3A_51 = vector.shape_cast %swap3A_50 : vector<1x50x1000xf32> to vector<50x1000xf32>
    %swap3A_52 = vector.shape_cast %add3A_46 : vector<50x1000xf32> to vector<1x50x1000xf32>
    tpu.vector_store %arg5[%swap3A_47, %swap3A_48, %swap3A_49], %swap3A_52 {strides = array<i32>} : memref<16x50x1000xf32, #tpu.memory_space<vmem>>, vector<1x50x1000xf32>,
    %get3A_53 = arith.constant 3 : index
    %get3A_54 = arith.constant 0 : index
    %get3A_55 = arith.constant 0 : index
    %get3A_56 = vector.load %arg1[%get3A_53, %get3A_54, %get3A_55] : memref<16x50x128xf32, #tpu.memory_space<vmem>>, vector<1x50x128xf32>
    %get3A_57 = vector.shape_cast %get3A_56 : vector<1x50x128xf32> to vector<50x128xf32>
    %add3A_58 = arith.addf %get3A_57, %get3A_1 : vector<50x128xf32>
    %dot_general3A_59 = arith.constant dense<0.000000e+00> : vector<50x1000xf32>
    %dot_general3A_60 = tpu.matmul %add3A_58, %get3A_4, %dot_general3A_59 {dimension_numbers = #tpu.dot_dimension_numbers<[1], [0], [0], [1], [0, 0, 1, 1], [], []>, transpose_lhs_hint = false} : vector<50x128xf32>, vector<128x1000xf32>, vector<50x1000xf32> -> vector<50x1000xf32>
    %add3A_61 = vector.broadcast %get3A_7 : vector<1x1000xf32> to vector<50x1000xf32>
    %add3A_62 = arith.addf %dot_general3A_60, %add3A_61 : vector<50x1000xf32>
    %swap3A_63 = arith.constant 3 : index
    %swap3A_64 = arith.constant 0 : index
    %swap3A_65 = arith.constant 0 : index
    %swap3A_66 = vector.load %arg5[%swap3A_63, %swap3A_64, %swap3A_65] : memref<16x50x1000xf32, #tpu.memory_space<vmem>>, vector<1x50x1000xf32>
    %swap3A_67 = vector.shape_cast %swap3A_66 : vector<1x50x1000xf32> to vector<50x1000xf32>
    %swap3A_68 = vector.shape_cast %add3A_62 : vector<50x1000xf32> to vector<1x50x1000xf32>
    tpu.vector_store %arg5[%swap3A_63, %swap3A_64, %swap3A_65], %swap3A_68 {strides = array<i32>} : memref<16x50x1000xf32, #tpu.memory_space<vmem>>, vector<1x50x1000xf32>,
    %get3A_69 = arith.constant 4 : index
    %get3A_70 = arith.constant 0 : index
    %get3A_71 = arith.constant 0 : index
    %get3A_72 = vector.load %arg1[%get3A_69, %get3A_70, %get3A_71] : memref<16x50x128xf32, #tpu.memory_space<vmem>>, vector<1x50x128xf32>
    %get3A_73 = vector.shape_cast %get3A_72 : vector<1x50x128xf32> to vector<50x128xf32>
    %add3A_74 = arith.addf %get3A_73, %get3A_1 : vector<50x128xf32>
    %dot_general3A_75 = arith.constant dense<0.000000e+00> : vector<50x1000xf32>
    %dot_general3A_76 = tpu.matmul %add3A_74, %get3A_4, %dot_general3A_75 {dimension_numbers = #tpu.dot_dimension_numbers<[1], [0], [0], [1], [0, 0, 1, 1], [], []>, transpose_lhs_hint = false} : vector<50x128xf32>, vector<128x1000xf32>, vector<50x1000xf32> -> vector<50x1000xf32>
    %add3A_77 = vector.broadcast %get3A_7 : vector<1x1000xf32> to vector<50x1000xf32>
    %add3A_78 = arith.addf %dot_general3A_76, %add3A_77 : vector<50x1000xf32>
    %swap3A_79 = arith.constant 4 : index
    %swap3A_80 = arith.constant 0 : index
    %swap3A_81 = arith.constant 0 : index
    %swap3A_82 = vector.load %arg5[%swap3A_79, %swap3A_80, %swap3A_81] : memref<16x50x1000xf32, #tpu.memory_space<vmem>>, vector<1x50x1000xf32>
    %swap3A_83 = vector.shape_cast %swap3A_82 : vector<1x50x1000xf32> to vector<50x1000xf32>
    %swap3A_84 = vector.shape_cast %add3A_78 : vector<50x1000xf32> to vector<1x50x1000xf32>
    tpu.vector_store %arg5[%swap3A_79, %swap3A_80, %swap3A_81], %swap3A_84 {strides = array<i32>} : memref<16x50x1000xf32, #tpu.memory_space<vmem>>, vector<1x50x1000xf32>,
    %get3A_85 = arith.constant 5 : index
    %get3A_86 = arith.constant 0 : index
    %get3A_87 = arith.constant 0 : index
    %get3A_88 = vector.load %arg1[%get3A_85, %get3A_86, %get3A_87] : memref<16x50x128xf32, #tpu.memory_space<vmem>>, vector<1x50x128xf32>
    %get3A_89 = vector.shape_cast %get3A_88 : vector<1x50x128xf32> to vector<50x128xf32>
    %add3A_90 = arith.addf %get3A_89, %get3A_1 : vector<50x128xf32>
    %dot_general3A_91 = arith.constant dense<0.000000e+00> : vector<50x1000xf32>
    %dot_general3A_92 = tpu.matmul %add3A_90, %get3A_4, %dot_general3A_91 {dimension_numbers = #tpu.dot_dimension_numbers<[1], [0], [0], [1], [0, 0, 1, 1], [], []>, transpose_lhs_hint = false} : vector<50x128xf32>, vector<128x1000xf32>, vector<50x1000xf32> -> vector<50x1000xf32>
    %add3A_93 = vector.broadcast %get3A_7 : vector<1x1000xf32> to vector<50x1000xf32>
    %add3A_94 = arith.addf %dot_general3A_92, %add3A_93 : vector<50x1000xf32>
    %swap3A_95 = arith.constant 5 : index
    %swap3A_96 = arith.constant 0 : index
    %swap3A_97 = arith.constant 0 : index
    %swap3A_98 = vector.load %arg5[%swap3A_95, %swap3A_96, %swap3A_97] : memref<16x50x1000xf32, #tpu.memory_space<vmem>>, vector<1x50x1000xf32>
    %swap3A_99 = vector.shape_cast %swap3A_98 : vector<1x50x1000xf32> to vector<50x1000xf32>
    %swap3A_100 = vector.shape_cast %add3A_94 : vector<50x1000xf32> to vector<1x50x1000xf32>
    tpu.vector_store %arg5[%swap3A_95, %swap3A_96, %swap3A_97], %swap3A_100 {strides = array<i32>} : memref<16x50x1000xf32, #tpu.memory_space<vmem>>, vector<1x50x1000xf32>,
    %get3A_101 = arith.constant 6 : index
    %get3A_102 = arith.constant 0 : index
    %get3A_103 = arith.constant 0 : index
    %get3A_104 = vector.load %arg1[%get3A_101, %get3A_102, %get3A_103] : memref<16x50x128xf32, #tpu.memory_space<vmem>>, vector<1x50x128xf32>
    %get3A_105 = vector.shape_cast %get3A_104 : vector<1x50x128xf32> to vector<50x128xf32>
    %add3A_106 = arith.addf %get3A_105, %get3A_1 : vector<50x128xf32>
    %dot_general3A_107 = arith.constant dense<0.000000e+00> : vector<50x1000xf32>
    %dot_general3A_108 = tpu.matmul %add3A_106, %get3A_4, %dot_general3A_107 {dimension_numbers = #tpu.dot_dimension_numbers<[1], [0], [0], [1], [0, 0, 1, 1], [], []>, transpose_lhs_hint = false} : vector<50x128xf32>, vector<128x1000xf32>, vector<50x1000xf32> -> vector<50x1000xf32>
    %add3A_109 = vector.broadcast %get3A_7 : vector<1x1000xf32> to vector<50x1000xf32>
    %add3A_110 = arith.addf %dot_general3A_108, %add3A_109 : vector<50x1000xf32>
    %swap3A_111 = arith.constant 6 : index
    %swap3A_112 = arith.constant 0 : index
    %swap3A_113 = arith.constant 0 : index
    %swap3A_114 = vector.load %arg5[%swap3A_111, %swap3A_112, %swap3A_113] : memref<16x50x1000xf32, #tpu.memory_space<vmem>>, vector<1x50x1000xf32>
    %swap3A_115 = vector.shape_cast %swap3A_114 : vector<1x50x1000xf32> to vector<50x1000xf32>
    %swap3A_116 = vector.shape_cast %add3A_110 : vector<50x1000xf32> to vector<1x50x1000xf32>
    tpu.vector_store %arg5[%swap3A_111, %swap3A_112, %swap3A_113], %swap3A_116 {strides = array<i32>} : memref<16x50x1000xf32, #tpu.memory_space<vmem>>, vector<1x50x1000xf32>,
    %get3A_117 = arith.constant 7 : index
    %get3A_118 = arith.constant 0 : index
    %get3A_119 = arith.constant 0 : index
    %get3A_120 = vector.load %arg1[%get3A_117, %get3A_118, %get3A_119] : memref<16x50x128xf32, #tpu.memory_space<vmem>>, vector<1x50x128xf32>
    %get3A_121 = vector.shape_cast %get3A_120 : vector<1x50x128xf32> to vector<50x128xf32>
    %add3A_122 = arith.addf %get3A_121, %get3A_1 : vector<50x128xf32>
    %dot_general3A_123 = arith.constant dense<0.000000e+00> : vector<50x1000xf32>
    %dot_general3A_124 = tpu.matmul %add3A_122, %get3A_4, %dot_general3A_123 {dimension_numbers = #tpu.dot_dimension_numbers<[1], [0], [0], [1], [0, 0, 1, 1], [], []>, transpose_lhs_hint = false} : vector<50x128xf32>, vector<128x1000xf32>, vector<50x1000xf32> -> vector<50x1000xf32>
    %add3A_125 = vector.broadcast %get3A_7 : vector<1x1000xf32> to vector<50x1000xf32>
    %add3A_126 = arith.addf %dot_general3A_124, %add3A_125 : vector<50x1000xf32>
    %swap3A_127 = arith.constant 7 : index
    %swap3A_128 = arith.constant 0 : index
    %swap3A_129 = arith.constant 0 : index
    %swap3A_130 = vector.load %arg5[%swap3A_127, %swap3A_128, %swap3A_129] : memref<16x50x1000xf32, #tpu.memory_space<vmem>>, vector<1x50x1000xf32>
    %swap3A_131 = vector.shape_cast %swap3A_130 : vector<1x50x1000xf32> to vector<50x1000xf32>
    %swap3A_132 = vector.shape_cast %add3A_126 : vector<50x1000xf32> to vector<1x50x1000xf32>
    tpu.vector_store %arg5[%swap3A_127, %swap3A_128, %swap3A_129], %swap3A_132 {strides = array<i32>} : memref<16x50x1000xf32, #tpu.memory_space<vmem>>, vector<1x50x1000xf32>,
    %get3A_133 = arith.constant 8 : index
    %get3A_134 = arith.constant 0 : index
    %get3A_135 = arith.constant 0 : index
    %get3A_136 = vector.load %arg1[%get3A_133, %get3A_134, %get3A_135] : memref<16x50x128xf32, #tpu.memory_space<vmem>>, vector<1x50x128xf32>
    %get3A_137 = vector.shape_cast %get3A_136 : vector<1x50x128xf32> to vector<50x128xf32>
    %add3A_138 = arith.addf %get3A_137, %get3A_1 : vector<50x128xf32>
    %dot_general3A_139 = arith.constant dense<0.000000e+00> : vector<50x1000xf32>
    %dot_general3A_140 = tpu.matmul %add3A_138, %get3A_4, %dot_general3A_139 {dimension_numbers = #tpu.dot_dimension_numbers<[1], [0], [0], [1], [0, 0, 1, 1], [], []>, transpose_lhs_hint = false} : vector<50x128xf32>, vector<128x1000xf32>, vector<50x1000xf32> -> vector<50x1000xf32>
    %add3A_141 = vector.broadcast %get3A_7 : vector<1x1000xf32> to vector<50x1000xf32>
    %add3A_142 = arith.addf %dot_general3A_140, %add3A_141 : vector<50x1000xf32>
    %swap3A_143 = arith.constant 8 : index
    %swap3A_144 = arith.constant 0 : index
    %swap3A_145 = arith.constant 0 : index
    %swap3A_146 = vector.load %arg5[%swap3A_143, %swap3A_144, %swap3A_145] : memref<16x50x1000xf32, #tpu.memory_space<vmem>>, vector<1x50x1000xf32>
    %swap3A_147 = vector.shape_cast %swap3A_146 : vector<1x50x1000xf32> to vector<50x1000xf32>
    %swap3A_148 = vector.shape_cast %add3A_142 : vector<50x1000xf32> to vector<1x50x1000xf32>
    tpu.vector_store %arg5[%swap3A_143, %swap3A_144, %swap3A_145], %swap3A_148 {strides = array<i32>} : memref<16x50x1000xf32, #tpu.memory_space<vmem>>, vector<1x50x1000xf32>,
    %get3A_149 = arith.constant 9 : index
    %get3A_150 = arith.constant 0 : index
    %get3A_151 = arith.constant 0 : index
    %get3A_152 = vector.load %arg1[%get3A_149, %get3A_150, %get3A_151] : memref<16x50x128xf32, #tpu.memory_space<vmem>>, vector<1x50x128xf32>
    %get3A_153 = vector.shape_cast %get3A_152 : vector<1x50x128xf32> to vector<50x128xf32>
    %add3A_154 = arith.addf %get3A_153, %get3A_1 : vector<50x128xf32>
    %dot_general3A_155 = arith.constant dense<0.000000e+00> : vector<50x1000xf32>
    %dot_general3A_156 = tpu.matmul %add3A_154, %get3A_4, %dot_general3A_155 {dimension_numbers = #tpu.dot_dimension_numbers<[1], [0], [0], [1], [0, 0, 1, 1], [], []>, transpose_lhs_hint = false} : vector<50x128xf32>, vector<128x1000xf32>, vector<50x1000xf32> -> vector<50x1000xf32>
    %add3A_157 = vector.broadcast %get3A_7 : vector<1x1000xf32> to vector<50x1000xf32>
    %add3A_158 = arith.addf %dot_general3A_156, %add3A_157 : vector<50x1000xf32>
    %swap3A_159 = arith.constant 9 : index
    %swap3A_160 = arith.constant 0 : index
    %swap3A_161 = arith.constant 0 : index
    %swap3A_162 = vector.load %arg5[%swap3A_159, %swap3A_160, %swap3A_161] : memref<16x50x1000xf32, #tpu.memory_space<vmem>>, vector<1x50x1000xf32>
    %swap3A_163 = vector.shape_cast %swap3A_162 : vector<1x50x1000xf32> to vector<50x1000xf32>
    %swap3A_164 = vector.shape_cast %add3A_158 : vector<50x1000xf32> to vector<1x50x1000xf32>
    tpu.vector_store %arg5[%swap3A_159, %swap3A_160, %swap3A_161], %swap3A_164 {strides = array<i32>} : memref<16x50x1000xf32, #tpu.memory_space<vmem>>, vector<1x50x1000xf32>,
    %get3A_165 = arith.constant 10 : index
    %get3A_166 = arith.constant 0 : index
    %get3A_167 = arith.constant 0 : index
    %get3A_168 = vector.load %arg1[%get3A_165, %get3A_166, %get3A_167] : memref<16x50x128xf32, #tpu.memory_space<vmem>>, vector<1x50x128xf32>
    %get3A_169 = vector.shape_cast %get3A_168 : vector<1x50x128xf32> to vector<50x128xf32>
    %add3A_170 = arith.addf %get3A_169, %get3A_1 : vector<50x128xf32>
    %dot_general3A_171 = arith.constant dense<0.000000e+00> : vector<50x1000xf32>
    %dot_general3A_172 = tpu.matmul %add3A_170, %get3A_4, %dot_general3A_171 {dimension_numbers = #tpu.dot_dimension_numbers<[1], [0], [0], [1], [0, 0, 1, 1], [], []>, transpose_lhs_hint = false} : vector<50x128xf32>, vector<128x1000xf32>, vector<50x1000xf32> -> vector<50x1000xf32>
    %add3A_173 = vector.broadcast %get3A_7 : vector<1x1000xf32> to vector<50x1000xf32>
    %add3A_174 = arith.addf %dot_general3A_172, %add3A_173 : vector<50x1000xf32>
    %swap3A_175 = arith.constant 10 : index
    %swap3A_176 = arith.constant 0 : index
    %swap3A_177 = arith.constant 0 : index
    %swap3A_178 = vector.load %arg5[%swap3A_175, %swap3A_176, %swap3A_177] : memref<16x50x1000xf32, #tpu.memory_space<vmem>>, vector<1x50x1000xf32>
    %swap3A_179 = vector.shape_cast %swap3A_178 : vector<1x50x1000xf32> to vector<50x1000xf32>
    %swap3A_180 = vector.shape_cast %add3A_174 : vector<50x1000xf32> to vector<1x50x1000xf32>
    tpu.vector_store %arg5[%swap3A_175, %swap3A_176, %swap3A_177], %swap3A_180 {strides = array<i32>} : memref<16x50x1000xf32, #tpu.memory_space<vmem>>, vector<1x50x1000xf32>,
    %get3A_181 = arith.constant 11 : index
    %get3A_182 = arith.constant 0 : index
    %get3A_183 = arith.constant 0 : index
    %get3A_184 = vector.load %arg1[%get3A_181, %get3A_182, %get3A_183] : memref<16x50x128xf32, #tpu.memory_space<vmem>>, vector<1x50x128xf32>
    %get3A_185 = vector.shape_cast %get3A_184 : vector<1x50x128xf32> to vector<50x128xf32>
    %add3A_186 = arith.addf %get3A_185, %get3A_1 : vector<50x128xf32>
    %dot_general3A_187 = arith.constant dense<0.000000e+00> : vector<50x1000xf32>
    %dot_general3A_188 = tpu.matmul %add3A_186, %get3A_4, %dot_general3A_187 {dimension_numbers = #tpu.dot_dimension_numbers<[1], [0], [0], [1], [0, 0, 1, 1], [], []>, transpose_lhs_hint = false} : vector<50x128xf32>, vector<128x1000xf32>, vector<50x1000xf32> -> vector<50x1000xf32>
    %add3A_189 = vector.broadcast %get3A_7 : vector<1x1000xf32> to vector<50x1000xf32>
    %add3A_190 = arith.addf %dot_general3A_188, %add3A_189 : vector<50x1000xf32>
    %swap3A_191 = arith.constant 11 : index
    %swap3A_192 = arith.constant 0 : index
    %swap3A_193 = arith.constant 0 : index
    %swap3A_194 = vector.load %arg5[%swap3A_191, %swap3A_192, %swap3A_193] : memref<16x50x1000xf32, #tpu.memory_space<vmem>>, vector<1x50x1000xf32>
    %swap3A_195 = vector.shape_cast %swap3A_194 : vector<1x50x1000xf32> to vector<50x1000xf32>
    %swap3A_196 = vector.shape_cast %add3A_190 : vector<50x1000xf32> to vector<1x50x1000xf32>
    tpu.vector_store %arg5[%swap3A_191, %swap3A_192, %swap3A_193], %swap3A_196 {strides = array<i32>} : memref<16x50x1000xf32, #tpu.memory_space<vmem>>, vector<1x50x1000xf32>,
    %get3A_197 = arith.constant 12 : index
    %get3A_198 = arith.constant 0 : index
    %get3A_199 = arith.constant 0 : index
    %get3A_200 = vector.load %arg1[%get3A_197, %get3A_198, %get3A_199] : memref<16x50x128xf32, #tpu.memory_space<vmem>>, vector<1x50x128xf32>
    %get3A_201 = vector.shape_cast %get3A_200 : vector<1x50x128xf32> to vector<50x128xf32>
    %add3A_202 = arith.addf %get3A_201, %get3A_1 : vector<50x128xf32>
    %dot_general3A_203 = arith.constant dense<0.000000e+00> : vector<50x1000xf32>
    %dot_general3A_204 = tpu.matmul %add3A_202, %get3A_4, %dot_general3A_203 {dimension_numbers = #tpu.dot_dimension_numbers<[1], [0], [0], [1], [0, 0, 1, 1], [], []>, transpose_lhs_hint = false} : vector<50x128xf32>, vector<128x1000xf32>, vector<50x1000xf32> -> vector<50x1000xf32>
    %add3A_205 = vector.broadcast %get3A_7 : vector<1x1000xf32> to vector<50x1000xf32>
    %add3A_206 = arith.addf %dot_general3A_204, %add3A_205 : vector<50x1000xf32>
    %swap3A_207 = arith.constant 12 : index
    %swap3A_208 = arith.constant 0 : index
    %swap3A_209 = arith.constant 0 : index
    %swap3A_210 = vector.load %arg5[%swap3A_207, %swap3A_208, %swap3A_209] : memref<16x50x1000xf32, #tpu.memory_space<vmem>>, vector<1x50x1000xf32>
    %swap3A_211 = vector.shape_cast %swap3A_210 : vector<1x50x1000xf32> to vector<50x1000xf32>
    %swap3A_212 = vector.shape_cast %add3A_206 : vector<50x1000xf32> to vector<1x50x1000xf32>
    tpu.vector_store %arg5[%swap3A_207, %swap3A_208, %swap3A_209], %swap3A_212 {strides = array<i32>} : memref<16x50x1000xf32, #tpu.memory_space<vmem>>, vector<1x50x1000xf32>,
    %get3A_213 = arith.constant 13 : index
    %get3A_214 = arith.constant 0 : index
    %get3A_215 = arith.constant 0 : index
    %get3A_216 = vector.load %arg1[%get3A_213, %get3A_214, %get3A_215] : memref<16x50x128xf32, #tpu.memory_space<vmem>>, vector<1x50x128xf32>
    %get3A_217 = vector.shape_cast %get3A_216 : vector<1x50x128xf32> to vector<50x128xf32>
    %add3A_218 = arith.addf %get3A_217, %get3A_1 : vector<50x128xf32>
    %dot_general3A_219 = arith.constant dense<0.000000e+00> : vector<50x1000xf32>
    %dot_general3A_220 = tpu.matmul %add3A_218, %get3A_4, %dot_general3A_219 {dimension_numbers = #tpu.dot_dimension_numbers<[1], [0], [0], [1], [0, 0, 1, 1], [], []>, transpose_lhs_hint = false} : vector<50x128xf32>, vector<128x1000xf32>, vector<50x1000xf32> -> vector<50x1000xf32>
    %add3A_221 = vector.broadcast %get3A_7 : vector<1x1000xf32> to vector<50x1000xf32>
    %add3A_222 = arith.addf %dot_general3A_220, %add3A_221 : vector<50x1000xf32>
    %swap3A_223 = arith.constant 13 : index
    %swap3A_224 = arith.constant 0 : index
    %swap3A_225 = arith.constant 0 : index
    %swap3A_226 = vector.load %arg5[%swap3A_223, %swap3A_224, %swap3A_225] : memref<16x50x1000xf32, #tpu.memory_space<vmem>>, vector<1x50x1000xf32>
    %swap3A_227 = vector.shape_cast %swap3A_226 : vector<1x50x1000xf32> to vector<50x1000xf32>
    %swap3A_228 = vector.shape_cast %add3A_222 : vector<50x1000xf32> to vector<1x50x1000xf32>
    tpu.vector_store %arg5[%swap3A_223, %swap3A_224, %swap3A_225], %swap3A_228 {strides = array<i32>} : memref<16x50x1000xf32, #tpu.memory_space<vmem>>, vector<1x50x1000xf32>,
    %get3A_229 = arith.constant 14 : index
    %get3A_230 = arith.constant 0 : index
    %get3A_231 = arith.constant 0 : index
    %get3A_232 = vector.load %arg1[%get3A_229, %get3A_230, %get3A_231] : memref<16x50x128xf32, #tpu.memory_space<vmem>>, vector<1x50x128xf32>
    %get3A_233 = vector.shape_cast %get3A_232 : vector<1x50x128xf32> to vector<50x128xf32>
    %add3A_234 = arith.addf %get3A_233, %get3A_1 : vector<50x128xf32>
    %dot_general3A_235 = arith.constant dense<0.000000e+00> : vector<50x1000xf32>
    %dot_general3A_236 = tpu.matmul %add3A_234, %get3A_4, %dot_general3A_235 {dimension_numbers = #tpu.dot_dimension_numbers<[1], [0], [0], [1], [0, 0, 1, 1], [], []>, transpose_lhs_hint = false} : vector<50x128xf32>, vector<128x1000xf32>, vector<50x1000xf32> -> vector<50x1000xf32>
    %add3A_237 = vector.broadcast %get3A_7 : vector<1x1000xf32> to vector<50x1000xf32>
    %add3A_238 = arith.addf %dot_general3A_236, %add3A_237 : vector<50x1000xf32>
    %swap3A_239 = arith.constant 14 : index
    %swap3A_240 = arith.constant 0 : index
    %swap3A_241 = arith.constant 0 : index
    %swap3A_242 = vector.load %arg5[%swap3A_239, %swap3A_240, %swap3A_241] : memref<16x50x1000xf32, #tpu.memory_space<vmem>>, vector<1x50x1000xf32>
    %swap3A_243 = vector.shape_cast %swap3A_242 : vector<1x50x1000xf32> to vector<50x1000xf32>
    %swap3A_244 = vector.shape_cast %add3A_238 : vector<50x1000xf32> to vector<1x50x1000xf32>
    tpu.vector_store %arg5[%swap3A_239, %swap3A_240, %swap3A_241], %swap3A_244 {strides = array<i32>} : memref<16x50x1000xf32, #tpu.memory_space<vmem>>, vector<1x50x1000xf32>,
    %get3A_245 = arith.constant 15 : index
    %get3A_246 = arith.constant 0 : index
    %get3A_247 = arith.constant 0 : index
    %get3A_248 = vector.load %arg1[%get3A_245, %get3A_246, %get3A_247] : memref<16x50x128xf32, #tpu.memory_space<vmem>>, vector<1x50x128xf32>
    %get3A_249 = vector.shape_cast %get3A_248 : vector<1x50x128xf32> to vector<50x128xf32>
    %add3A_250 = arith.addf %get3A_249, %get3A_1 : vector<50x128xf32>
    %dot_general3A_251 = arith.constant dense<0.000000e+00> : vector<50x1000xf32>
    %dot_general3A_252 = tpu.matmul %add3A_250, %get3A_4, %dot_general3A_251 {dimension_numbers = #tpu.dot_dimension_numbers<[1], [0], [0], [1], [0, 0, 1, 1], [], []>, transpose_lhs_hint = false} : vector<50x128xf32>, vector<128x1000xf32>, vector<50x1000xf32> -> vector<50x1000xf32>
    %add3A_253 = vector.broadcast %get3A_7 : vector<1x1000xf32> to vector<50x1000xf32>
    %add3A_254 = arith.addf %dot_general3A_252, %add3A_253 : vector<50x1000xf32>
    %swap3A_255 = arith.constant 15 : index
    %swap3A_256 = arith.constant 0 : index
    %swap3A_257 = arith.constant 0 : index
    %swap3A_258 = vector.load %arg5[%swap3A_255, %swap3A_256, %swap3A_257] : memref<16x50x1000xf32, #tpu.memory_space<vmem>>, vector<1x50x1000xf32>
    %swap3A_259 = vector.shape_cast %swap3A_258 : vector<1x50x1000xf32> to vector<50x1000xf32>
    %swap3A_260 = vector.shape_cast %add3A_254 : vector<50x1000xf32> to vector<1x50x1000xf32>
    tpu.vector_store %arg5[%swap3A_255, %swap3A_256, %swap3A_257], %swap3A_260 {strides = array<i32>} : memref<16x50x1000xf32, #tpu.memory_space<vmem>>, vector<1x50x1000xf32>,
    return
  }
  func.func @transform_0(%arg0: i32) -> (i32, i32, i32) {
    %c0_i32 = arith.constant 0 : i32
    %c0_i32_0 = arith.constant 0 : i32
    %c0_i32_1 = arith.constant 0 : i32
    return %arg0, %c0_i32, %c0_i32_0 : i32, i32, i32
  }
  func.func @transform_1(%arg0: i32) -> (i32, i32) {
    %c0_i32 = arith.constant 0 : i32
    %c0_i32_0 = arith.constant 0 : i32
    %c0_i32_1 = arith.constant 0 : i32
    return %c0_i32, %c0_i32_0 : i32, i32
  }
  func.func @transform_2(%arg0: i32) -> (i32, i32) {
    %c0_i32 = arith.constant 0 : i32
    %c0_i32_0 = arith.constant 0 : i32
    %c0_i32_1 = arith.constant 0 : i32
    return %c0_i32, %c0_i32_0 : i32, i32
  }
  func.func @transform_3(%arg0: i32) -> (i32, i32) {
    %c0_i32 = arith.constant 0 : i32
    %c0_i32_0 = arith.constant 0 : i32
    %c0_i32_1 = arith.constant 0 : i32
    return %c0_i32, %c0_i32_0 : i32, i32
  }
  func.func @transform_4(%arg0: i32) -> (i32, i32, i32) {
    %c0_i32 = arith.constant 0 : i32
    %c0_i32_0 = arith.constant 0 : i32
    %c0_i32_1 = arith.constant 0 : i32
    return %arg0, %c0_i32, %c0_i32_0 : i32, i32, i32
  }
}

</mosaic_0001>

<sc_bundles>
// kernel: kernel.4.cloned.1.call-start
scs
__scs_entry_jumppad:
0x0: {  	(pc) =	sbr.rel $0x88, $3  }
0x1: {  	(tag) =	ssettag $0x0;
	lr =	simm.s32 $0x1  }
0x2: {  	[smem:$0x3F9C] =	sst lr;
	_ =	strace $0xD0000000  }
0x3: {  	_ = 	snop  }
0x4: {  	_ = 	snop  }
0x5: {  	_ = 	snop  }
0x6: {  	_ = 	snop  }
0x7: {  	_ = 	snop  }
__scs_overlays_trampoline_lowered:
0x8: {  	[smem:$0x3FAB] =	sst s0  }
0x9: {  	[smem:$0x3FAC] =	sst s1  }
0xa: {  	[smem:$0x3FAD] =	sst s2  }
0xb: {  	[smem:$0x3FAE] =	sst s3  }
0xc: {  	[smem:$0x3FAF] =	sst s4  }
0xd: {  	[smem:$0x3FB0] =	sst s5  }
0xe: {  	[smem:$0x3FB1] =	sst s6  }
0xf: {  	[smem:$0x3FB2] =	sst s7  }
0x10: {  	[smem:$0x3FB3] =	sst s8  }
0x11: {  	[smem:$0x3FB4] =	sst s9;
	s0 =	simm.s32 @!p0 $0x0  }
0x12: {  	s1 =	sld [smem:$0x3F9A];
	s0 =	simm.s32 @p0 $0x1  }
0x13: {  	[smem:$0x3FB5] =	sst s0;
	s0 =	simm.s32 @!p1 $0x0  }
0x14: {  	s2 =	sld [smem:$0x3F99];
	s0 =	simm.s32 @p1 $0x1  }
0x15: {  	[smem:$0x3FB6] =	sst s0;
	s0 =	simm.s32 @!p2 $0x0  }
0x16: {  	s3 =	sld [smem:$0x3FDB];
	s0 =	simm.s32 @p2 $0x1  }
0x17: {  	s4 =	simm.s32 $0x1BF5;
	[smem:$0x3FB8] =	sst s0  }
0x18: {  	s0 =	sld [smem:$0x3F9B];
	_ =	swait.ge [sflag:s4], $0x0  }
0x19: {  	s7 =	sld [smem:$0x3F9C]  }
0x1a: {  	s8 =	sadd.s32 $0xFFFFE003, lr  }
0x1b: {  	s9 =	sadd.s32 $0xFFFFFEF7, lr;
	s5 =	simm.s32 $0xFFFFFFFF;
	p2 =	slt.u32 s8, $0xFFFFF086  }
0x1c: {  	p1 =	slt.u32 s9, $0xF7A;
	s5 =	simm.s32 @!p2 $0x0  }
0x1d: {  	s5 =	simm.s32 @p1 $0x1;
	p0 =	seq.s32 s7, s2  }
0x1e: {  	s7 =	smul.u32 @!p0 $0xF7A, s2;
	p2 =	seq.s32 @!p0 s5, $0x0  }
0x1f: {  	s9 =	smul.u32 $0xF7A, s1;
	s8 =	simm.s32 @!p0 $0x1BF5;
	p2 =	por !p2, p0  }
0x20: {  	[sflag:s8] =	ssyncset.s32 @!p0 $0xFFFFF086;
	s6 =	sadd.s32 @!p0 s3, s7;
	s7 =	simm.s32 @!p0 $0x108  }
0x21: {  	s3 =	sadd.s32 s3, s9;
	s6 =	sadd.s32 @!p0 $0x88, s6;
	s7 =	simm.s32 @p2 $0x1082  }
0x22: {  	[simem:s7], [sflag:s8] =	dma.local @!p0 [hbm:s6], $0xF7A  }
0x23: {  	s9 =	sor.u32 $0xD0000000, s2;
	s6 =	simm.s32 $0x108;
	_ =	swait.ge @!p0 [sflag:s8], $0x0  }
0x24: {  	s3 =	sadd.s32 $0x88, s3;
	s6 =	simm.s32 @!p1 $0x1082;
	[sflag:s4] =	ssyncset.s32 $0xFFFFF086  }
0x25: {  	[simem:s6], [sflag:s4] =	dma.local [hbm:s3], $0xF7A  }
0x26: {  	[smem:$0x3F9C] =	sst s1;
	(tag) =	ssettag s2;
	_ =	strace s9  }
0x27: {  	s1 =	sld [smem:$0x3FAC]  }
0x28: {  	s2 =	sld [smem:$0x3FAD]  }
0x29: {  	s4 =	sld [smem:$0x3FAF]  }
0x2a: {  	p0 =	seq.s32 s5, $0x0;
	s5 =	sld [smem:$0x3FB0]  }
0x2b: {  	s6 =	sld [smem:$0x3FB1]  }
0x2c: {  	s7 =	sld [smem:$0x3FB2]  }
0x2d: {  	s3 =	simm.s32 $0x108;
	s8 =	sld [smem:$0x3FB3]  }
0x2e: {  	s3 =	simm.s32 @!p0 $0x1082;
	s9 =	sld [smem:$0x3FB4]  }
0x2f: {  	lr =	sadd.s32 s0, s3;
	s0 =	sld [smem:$0x3FAB]  }
0x30: {  	s3 =	sld [smem:$0x3FAE]  }
0x31: {  	[smem:$0x3FB7] =	sst s10  }
0x32: {  	s10 =	sld [smem:$0x3FB5];
	_ =	sdelay $0x3  }
0x33: {  	p0 =	seq.s32 s10, $0x1;
	s10 =	sld [smem:$0x3FB7];
	_ =	sdelay $0x3  }
0x34: {  	[smem:$0x3FB7] =	sst s10  }
0x35: {  	s10 =	sld [smem:$0x3FB6];
	_ =	sdelay $0x3  }
0x36: {  	p1 =	seq.s32 s10, $0x1;
	s10 =	sld [smem:$0x3FB7];
	_ =	sdelay $0x3  }
0x37: {  	[smem:$0x3FB7] =	sst s10  }
0x38: {  	s10 =	sld [smem:$0x3FB8]  }
0x39: {  	_ = 	snop;
	(pc) =	sbr.ind lr, $3  }
0x3a: {  	_ = 	snop  }
0x3b: {  	_ = 	snop  }
0x3c: {  	p2 =	seq.s32 s10, $0x1;
	s10 =	sld [smem:$0x3FB7]  }
0x3d: {  	_ =	shalt  }
0x3e: {  	_ =	shalt  }
0x3f: {  	_ =	shalt  }
0x40: {  	_ =	shalt  }
0x41: {  	_ =	shalt  }
0x42: {  	_ =	shalt  }
0x43: {  	_ =	shalt  }
0x44: {  	_ =	shalt  }
0x45: {  	_ =	shalt  }
0x46: {  	_ =	shalt  }
0x47: {  	_ =	shalt  }
0x48: {  	_ =	shalt  }
0x49: {  	_ =	shalt  }
0x4a: {  	_ =	shalt  }
0x4b: {  	_ =	shalt  }
0x4c: {  	_ =	shalt  }
0x4d: {  	_ =	shalt  }
0x4e: {  	_ =	shalt  }
0x4f: {  	_ =	shalt  }
0x50: {  	_ =	shalt  }
0x51: {  	_ =	shalt  }
0x52: {  	_ =	shalt  }
0x53: {  	_ =	shalt  }
0x54: {  	_ =	shalt  }
0x55: {  	_ =	shalt  }
0x56: {  	_ =	shalt  }
0x57: {  	_ =	shalt  }
0x58: {  	_ =	shalt  }
0x59: {  	_ =	shalt  }
0x5a: {  	_ =	shalt  }
0x5b: {  	_ =	shalt  }
0x5c: {  	_ =	shalt  }
0x5d: {  	_ =	shalt  }
0x5e: {  	_ =	shalt  }
0x5f: {  	_ =	shalt  }
0x60: {  	_ =	shalt  }
0x61: {  	_ =	shalt  }
0x62: {  	_ =	shalt  }
0x63: {  	_ =	shalt  }
0x64: {  	_ =	shalt  }
0x65: {  	_ =	shalt  }
0x66: {  	_ =	shalt  }
0x67: {  	_ =	shalt  }
0x68: {  	_ =	shalt  }
0x69: {  	_ =	shalt  }
0x6a: {  	_ =	shalt  }
0x6b: {  	_ =	shalt  }
0x6c: {  	_ =	shalt  }
0x6d: {  	_ =	shalt  }
0x6e: {  	_ =	shalt  }
0x6f: {  	_ =	shalt  }
0x70: {  	_ =	shalt  }
0x71: {  	_ =	shalt  }
0x72: {  	_ =	shalt  }
0x73: {  	_ =	shalt  }
0x74: {  	_ =	shalt  }
0x75: {  	_ =	shalt  }
0x76: {  	_ =	shalt  }
0x77: {  	_ =	shalt  }
0x78: {  	_ =	shalt  }
0x79: {  	_ =	shalt  }
0x7a: {  	_ =	shalt  }
0x7b: {  	_ =	shalt  }
0x7c: {  	_ =	shalt  }
0x7d: {  	_ =	shalt  }
0x7e: {  	_ =	shalt  }
0x7f: {  	_ =	shalt  }
0x80: {  	_ =	shalt  }
0x81: {  	_ =	shalt  }
0x82: {  	_ =	shalt  }
0x83: {  	_ =	shalt  }
0x84: {  	_ =	shalt  }
0x85: {  	_ =	shalt  }
0x86: {  	_ =	shalt  }
0x87: {  	_ =	shalt  }
.Lfunc_end0:
.L_simem_size_0:
called_computation_lowered:
.L_overlay_start_0:
0x88: {  	s2 =	sld [smem:$0x3FD9]  }
0x89: {  	s3 =	sld [smem:$0x3FFE];
	_ =	sdelay $0x1  }
0x8a: {  	s1 =	srdreg.scid  }
0x8b: {  	s0 =	sand.u32 $0x1, s1  }
0x8c: {  	s17 =	sshll.u32 s0, $0xA;
	s2 =	sadd.s32 s3, s2  }
0x8d: {  	s2 =	sadd.s32 s2, s17  }
0x8e: {  	[smem:$0x3FC3] =	sst s2  }
0x8f: {  	_ = 	snop  }
0x90: {  	s2 =	sld [smem:$0x3FD0];
	(tm) =	ssettm $0x1  }
0x91: {  	s18 =	sld [smem:$0x3FFB];
	_ =	sdelay $0x3  }
0x92: {  	_ =	strace s18  }
0x93: {  	s3 =	sld [smem:$0x3FFC];
	_ =	sdelay $0x3  }
0x94: {  	_ =	strace s3  }
0x95: {  	s3 =	sld [smem:$0x3FFD];
	_ =	sdelay $0x3  }
0x96: {  	_ =	strace s3  }
0x97: {  	_ =	strace $0x8FFFFFFF  }
0x98: {  	s19 =	sld [smem:$0x3FDB];
	_ =	sdelay $0x1  }
0x99: {  	s4 =	simm.s32 $_scs_section_size  }
0x9a: {  	s5 =	simm.s32 $_size__tile_overlayer_lowered;
	s6 =	simm.s32 $_tile_overlayer_lowered  }
0x9b: {  	s22 =	simm.s32 $0x1BFF;
	s21 =	sshll.u32 s6, $0x1;
	s3 =	sadd.s32 s4, s19  }
0x9c: {  	s7 =	simm.s32 $0x0;
	s20 =	sshll.u32 s5, $0x1;
	s5 =	sadd.s32 s21, s3  }
0x9d: {  	[timem:s7], [sflag:s22] =	dma.local [hbm:s5], s20  }
0x9e: {  	_ =	swait.ge [sflag:s22], s20  }
0x9f: {  	s4 =	ssub.s32 $0x0, s20;
	[sflag:s22] =	ssyncset.done $0x0  }
0xa0: {  	[sflag:s22] =	ssyncadd.s32 s4;
	_ =	sdelay $0x1  }
0xa1: {  	s23 =	simm.s32 $0x1B8B  }
0xa2: {  	_ =	swait.ge [sflag:s23], $0x1  }
0xa3: {  	[sflag:s23] =	ssyncset.done $0x0  }
0xa4: {  	s25 =	simm.s32 $0x1B8E;
	s24 =	sld [smem:$0x3FFE];
	[sflag:s23] =	ssyncadd.s32 $0xFFFFFFFF  }
0xa5: {  	s26 =	simm.s32 $execute0_lowered;
	[smem:$0x3FD2] =	sst s25  }
0xa6: {  	s5 =	sshll.u32 s26, $0x1;
	_ =	strace $0x80000046;
	[dreg:$0x1] =	wrdreg $0xFFFFFFFF  }
0xa7: {  	s28 =	simm.s32 $_size_execute0_lowered;
	s3 =	sadd.s32 s3, s5;
	[dreg:$0x0] =	wrdreg $0x0  }
0xa8: {  	s5 =	sshll.u32 s28, $0x1;
	[dreg:$0x2] =	wrdreg s3  }
0xa9: {  	[dreg:$0x3] =	wrdreg s5  }
0xaa: {  	[dreg:$0x4] =	wrdreg $0xC0  }
0xab: {  	_ =	task [dreg:s7], $0x5FFFF  }
0xac: {  	[dreg:$0x1] =	wrdreg $0xFFFFFFFF  }
0xad: {  	[dreg:$0x0] =	wrdreg $0x60  }
0xae: {  	[dreg:$0x2] =	wrdreg s24  }
0xaf: {  	[dreg:$0x3] =	wrdreg s2  }
0xb0: {  	[dreg:$0x4] =	wrdreg $0x9  }
0xb1: {  	_ =	task.clear_ibuf [dreg:s7], $0x5FFFF;
	_ =	strace $0x90000046  }
0xb2: {  	s29 =	simm.s32 $0x9;
	_ =	strace $0x80000048  }
0xb3: {  	_ =	swait.ge [sflag:s29], $0x1  }
0xb4: {  	[sflag:s29] =	ssyncadd.s32 $0xFFFFFFFF  }
0xb5: {  	_ =	strace $0x90000048  }
0xb6: {  	_ =	sfence  }
0xb7: {  	s30 =	sld [smem:$0x0];
	_ =	sdelay $0x2  }
0xb8: {  	s31 =	sshll.u32 s1, $0xD;
	s1 =	sshrl.u32 s1, $0x2  }
0xb9: {  	s3 =	sand.u32 $0x4000, s31;
	s1 =	sadd.s32 s1, s30  }
0xba: {  	s0 =	sor.u32 s3, s0;
	s1 =	sshll.u32 s1, $0x11  }
0xbb: {  	s0 =	sor.u32 s1, s0  }
0xbc: {  	s0 =	sadd.s32 $0x8F2B, s0  }
0xbd: {  	[sflag:s0] =	ssyncadd.remote.s32 $0x1  }
0xbe: {  	_ =	sfence.sel $0xFFFF  }
0xbf: {  	[dreg:$0x0] =	wrdreg $0xFFFFFFFF;
	(pc) =	sbr.abs _section_cstart, $3  }
0xc0: {  	[dreg:$0x1] =	wrdreg $0xFFFFFFFF  }
0xc1: {  	_ =	task.clear_ibuf [dreg:s7], $0x2FFFF;
	_ =	strace $0x9FFFFFFF  }
0xc2: {  	(tm) =	ssettm $0x7FFFFFFF  }
0xc3: {  	_ =	shalt  }
tec
execute0_lowered:
.L_overlay_start_1:
0x0: {  	(tag) =	ssettag $0x1  }
0x1: {  	s0 =	srdreg.scid  }
0x2: {  	s24 =	stileid.u32;
	s1 =	rddreg [dreg:$0x0];
	s0 =	sand.u32 $0x1, s0  }
0x3: {  	s4 =	rddreg [dreg:$0x1];
	s2 =	sshll.u32 s24, $0x6;
	s3 =	sshll.u32 s0, $0x5  }
0x4: {  	s26 =	rddreg [dreg:$0x2];
	s3 =	sor.u32 s3, s2;
	s2 =	simm.s32 $0x0  }
0x5: {  	s12 =	simm.s32 $0x80;
	[smem:$0x7FF] =	sst s2  }
0x6: {  	s13 =	simm.s32 $0x100;
	_ =	strace $0x80000047;
	[dreg:$0x4] =	wrdreg s12  }
0x7: {  	s14 =	simm.s32 $0x180;
	[dreg:$0x5] =	wrdreg s13  }
0x8: {  	s16 =	simm.s32 $0x200;
	[dreg:$0x6] =	wrdreg s14  }
0x9: {  	s17 =	simm.s32 $0x280;
	s19 =	simm.s32 $0x300;
	[dreg:$0x7] =	wrdreg s16  }
0xa: {  	s20 =	simm.s32 $0x380;
	s22 =	simm.s32 $0x400;
	[dreg:$0x8] =	wrdreg s17  }
0xb: {  	s23 =	simm.s32 $0x480;
	s25 =	simm.s32 $0x500;
	[dreg:$0x9] =	wrdreg s19  }
0xc: {  	s31 =	simm.s32 $0x580;
	s6 =	simm.s32 $0x700;
	[dreg:$0xa] =	wrdreg s20  }
0xd: {  	s7 =	simm.s32 $0x780;
	s8 =	simm.s32 $0x800;
	[dreg:$0xb] =	wrdreg s22  }
0xe: {  	s29 =	simm.s32 $0x1000;
	s9 =	simm.s32 $0x880;
	[dreg:$0xc] =	wrdreg s23  }
0xf: {  	s10 =	simm.s32 $0x900;
	s11 =	simm.s32 $0x980;
	[dreg:$0xd] =	wrdreg s25  }
0x10: {  	p0 =	por $0x0, $0x0;
	s0 =	ssub.s32 $0x2, s0;
	[dreg:$0xe] =	wrdreg s31  }
0x11: {  	s15 =	sadd.s32 $0x4600, s1;
	s18 =	sshrl.u32 s0, $0x1;
	[dreg:$0x11] =	wrdreg s6  }
0x12: {  	s5 =	sshll.u32 s3, $0x4;
	s21 =	smul.u32 $0x380, s3;
	[dreg:$0x12] =	wrdreg s7  }
0x13: {  	s0 =	ssub.s32 s0, s18;
	s3 =	smul.u32 $0x1C00, s3;
	[dreg:$0x13] =	wrdreg s8  }
0x14: {  	s18 =	simm.s32 $0xC80;
	s5 =	sadd.s32 s5, s1;
	[dreg:$0x14] =	wrdreg s9  }
0x15: {  	s0 =	smax.u32 s0, $0x1;
	s22 =	simm.s32 $0x32;
	[dreg:$0x15] =	wrdreg s10  }
0x16: {  	s8 =	simm.s32 $0x6400;
	[dreg:$0x16] =	wrdreg s11;
	s12 =	simm.s32 $0xA00  }
0x17: {  	s9 =	simm.s32 $0x8000;
	s13 =	simm.s32 $0xA80;
	s10 =	simm.s32 $0x9C00  }
0x18: {  	s14 =	simm.s32 $0xB00;
	s11 =	simm.s32 $0xB800;
	[dreg:$0x1c] =	wrdreg s18  }
0x19: {  	s16 =	simm.s32 $0xB80;
	s17 =	simm.s32 $0xC00;
	[dreg:$0x17] =	wrdreg s12  }
0x1a: {  	s19 =	simm.s32 $0xD00;
	s20 =	simm.s32 $0xD80;
	[dreg:$0x18] =	wrdreg s13  }
0x1b: {  	s18 =	simm.s32 $0x16000;
	s23 =	simm.s32 $0xE80;
	[dreg:$0x19] =	wrdreg s14  }
0x1c: {  	s25 =	simm.s32 $0xF00;
	s31 =	simm.s32 $0xF80;
	[dreg:$0x1a] =	wrdreg s16  }
0x1d: {  	s5 =	sadd.s32 $0x600, s5;
	s30 =	sadd.s32 s4, s21;
	[dreg:$0x1b] =	wrdreg s17  }
0x1e: {  	s3 =	sshrl.u32 s3, $0x3;
	s12 =	simm.s32 $0xD400;
	[dreg:$0x1d] =	wrdreg s19  }
0x1f: {  	s13 =	simm.s32 $0xF000;
	s14 =	simm.s32 $0x10C00;
	[dreg:$0x1e] =	wrdreg s20  }
0x20: {  	s16 =	simm.s32 $0x12800;
	s17 =	simm.s32 $0x14400;
	[smem:$0x7FB] =	sst s23  }
0x21: {  	s21 =	simm.s32 $0xE00;
	s19 =	simm.s32 $0x17C00;
	[smem:$0x7FC] =	sst s25  }
0x22: {  	s20 =	simm.s32 $0x19800;
	[smem:$0x7FD] =	sst s31;
	p1 =	sne.s32 s0, $0x1  }
.Ltmp0:
0x23: {  	s23 =	simm.s32 $0x1;
	[dreg:$0x3] =	wrdreg s5;
	(pc) =	sbr.rel @!p1 .LBB2_5-.Ltmp0, $4  }
0x24: {  	s3 =	sadd.s32 s4, s3;
	s4 =	simm.s32 $0x600;
	[dreg:$0x1f] =	wrdreg s21  }
0x25: {  	s25 =	sadd.s32 $0xFFFFFFFF, s0;
	s5 =	simm.s32 $0x680;
	[dreg:$0xf] =	wrdreg s4  }
0x26: {  	s21 =	simm.s32 $0x1B400;
	s28 =	sadd.s32 $0x3800, s3;
	[dreg:$0x10] =	wrdreg s5  }
0x27: {  	s4 =	simm.s32 $0x2;
	s3 =	simm.s32 $0x2C00;
	s5 =	simm.s32 $0x4800  }
0x28: {  	s0 =	rddreg [dreg:$0x3]  }
0x29: {  	[tilespmem:s2], [sflag:$0x2] =	stream.linear.gather [hbm4b:s0+s2], $0x1000, $0x38;
	[tilespmem:$0x1D000] =	vst v63  }
0x2a: {  	_ =	swait.ge [sflag:s4], $0x1000  }
0x2b: {  	[sflag:s4] =	ssyncset.done $0x0  }
0x2c: {  	[sflag:s4] =	ssyncadd.s32 $0xFFFFF000  }
0x2d: {  	[tilespmem:s29], [sflag:$0x1] =	stream.indirect.gather [hbm4b:s15+s22], $0x80, s2, s22, $0xb8;
	[tilespmem:$0x1D000] =	vst v63  }
0x2e: {  	s24 =	rddreg [dreg:$0x4]  }
0x2f: {  	[tilespmem:s3], [sflag:$0x1] =	stream.indirect.gather [hbm4b:s15+s22], $0x80, s24, s22, $0xb8;
	[tilespmem:$0x1D000] =	vst v63  }
0x30: {  	s1 =	rddreg [dreg:$0x5]  }
0x31: {  	[tilespmem:s5], [sflag:$0x1] =	stream.indirect.gather [hbm4b:s15+s22], $0x80, s1, s22, $0xb8;
	[tilespmem:$0x1D000] =	vst v63  }
0x32: {  	s26 =	rddreg [dreg:$0x6]  }
0x33: {  	[tilespmem:s8], [sflag:$0x1] =	stream.indirect.gather [hbm4b:s15+s22], $0x80, s26, s22, $0xb8;
	[tilespmem:$0x1D000] =	vst v63  }
0x34: {  	s6 =	rddreg [dreg:$0x7]  }
0x35: {  	[tilespmem:s9], [sflag:$0x1] =	stream.indirect.gather [hbm4b:s15+s22], $0x80, s6, s22, $0xb8;
	[tilespmem:$0x1D000] =	vst v63  }
0x36: {  	s7 =	rddreg [dreg:$0x8]  }
0x37: {  	[tilespmem:s10], [sflag:$0x1] =	stream.indirect.gather [hbm4b:s15+s22], $0x80, s7, s22, $0xb8;
	[tilespmem:$0x1D000] =	vst v63  }
0x38: {  	s24 =	rddreg [dreg:$0x9]  }
0x39: {  	[tilespmem:s11], [sflag:$0x1] =	stream.indirect.gather [hbm4b:s15+s22], $0x80, s24, s22, $0xb8;
	[tilespmem:$0x1D000] =	vst v63  }
0x3a: {  	s26 =	rddreg [dreg:$0xa]  }
0x3b: {  	[tilespmem:s12], [sflag:$0x1] =	stream.indirect.gather [hbm4b:s15+s22], $0x80, s26, s22, $0xb8;
	[tilespmem:$0x1D000] =	vst v63  }
0x3c: {  	s6 =	rddreg [dreg:$0xb]  }
0x3d: {  	[tilespmem:s13], [sflag:$0x1] =	stream.indirect.gather [hbm4b:s15+s22], $0x80, s6, s22, $0xb8;
	[tilespmem:$0x1D000] =	vst v63  }
0x3e: {  	s7 =	rddreg [dreg:$0xc]  }
0x3f: {  	[tilespmem:s14], [sflag:$0x1] =	stream.indirect.gather [hbm4b:s15+s22], $0x80, s7, s22, $0xb8;
	[tilespmem:$0x1D000] =	vst v63  }
0x40: {  	s24 =	rddreg [dreg:$0xd]  }
0x41: {  	[tilespmem:s16], [sflag:$0x1] =	stream.indirect.gather [hbm4b:s15+s22], $0x80, s24, s22, $0xb8;
	[tilespmem:$0x1D000] =	vst v63  }
0x42: {  	s26 =	rddreg [dreg:$0xe]  }
0x43: {  	[tilespmem:s17], [sflag:$0x1] =	stream.indirect.gather [hbm4b:s15+s22], $0x80, s26, s22, $0xb8;
	[tilespmem:$0x1D000] =	vst v63  }
0x44: {  	s6 =	rddreg [dreg:$0xf]  }
0x45: {  	[tilespmem:s18], [sflag:$0x1] =	stream.indirect.gather [hbm4b:s15+s22], $0x80, s6, s22, $0xb8;
	[tilespmem:$0x1D000] =	vst v63  }
0x46: {  	s7 =	rddreg [dreg:$0x10]  }
0x47: {  	[tilespmem:s19], [sflag:$0x1] =	stream.indirect.gather [hbm4b:s15+s22], $0x80, s7, s22, $0xb8;
	[tilespmem:$0x1D000] =	vst v63  }
0x48: {  	s24 =	rddreg [dreg:$0x11]  }
0x49: {  	[tilespmem:s20], [sflag:$0x1] =	stream.indirect.gather [hbm4b:s15+s22], $0x80, s24, s22, $0xb8;
	[tilespmem:$0x1D000] =	vst v63  }
0x4a: {  	s26 =	rddreg [dreg:$0x12]  }
0x4b: {  	[tilespmem:s21], [sflag:$0x1] =	stream.indirect.gather [hbm4b:s15+s22], $0x80, s26, s22, $0xb8;
	[tilespmem:$0x1D000] =	vst v63  }
0x4c: {  	_ =	swait.ge [sflag:s23], $0x1900  }
0x4d: {  	[sflag:s23] =	ssyncset.done $0x0  }
0x4e: {  	[sflag:s23] =	ssyncadd.s32 $0xFFFFE700  }
0x4f: {  	_ =	swait.ge [sflag:s23], $0x1900  }
0x50: {  	[sflag:s23] =	ssyncset.done $0x0  }
0x51: {  	[sflag:s23] =	ssyncadd.s32 $0xFFFFE700  }
0x52: {  	_ =	swait.ge [sflag:s23], $0x1900  }
0x53: {  	[sflag:s23] =	ssyncset.done $0x0  }
0x54: {  	[sflag:s23] =	ssyncadd.s32 $0xFFFFE700  }
0x55: {  	_ =	swait.ge [sflag:s23], $0x1900  }
0x56: {  	[sflag:s23] =	ssyncset.done $0x0  }
0x57: {  	[sflag:s23] =	ssyncadd.s32 $0xFFFFE700  }
0x58: {  	_ =	swait.ge [sflag:s23], $0x1900  }
0x59: {  	[sflag:s23] =	ssyncset.done $0x0  }
0x5a: {  	[sflag:s23] =	ssyncadd.s32 $0xFFFFE700  }
0x5b: {  	_ =	swait.ge [sflag:s23], $0x1900  }
0x5c: {  	[sflag:s23] =	ssyncset.done $0x0  }
0x5d: {  	[sflag:s23] =	ssyncadd.s32 $0xFFFFE700  }
0x5e: {  	_ =	swait.ge [sflag:s23], $0x1900  }
0x5f: {  	[sflag:s23] =	ssyncset.done $0x0  }
0x60: {  	[sflag:s23] =	ssyncadd.s32 $0xFFFFE700  }
0x61: {  	_ =	swait.ge [sflag:s23], $0x1900  }
0x62: {  	[sflag:s23] =	ssyncset.done $0x0  }
0x63: {  	[sflag:s23] =	ssyncadd.s32 $0xFFFFE700  }
0x64: {  	_ =	swait.ge [sflag:s23], $0x1900  }
0x65: {  	[sflag:s23] =	ssyncset.done $0x0  }
0x66: {  	[sflag:s23] =	ssyncadd.s32 $0xFFFFE700  }
0x67: {  	_ =	swait.ge [sflag:s23], $0x1900  }
0x68: {  	[sflag:s23] =	ssyncset.done $0x0  }
0x69: {  	[sflag:s23] =	ssyncadd.s32 $0xFFFFE700  }
0x6a: {  	_ =	swait.ge [sflag:s23], $0x1900  }
0x6b: {  	[sflag:s23] =	ssyncset.done $0x0  }
0x6c: {  	[sflag:s23] =	ssyncadd.s32 $0xFFFFE700  }
0x6d: {  	_ =	swait.ge [sflag:s23], $0x1900  }
0x6e: {  	[sflag:s23] =	ssyncset.done $0x0  }
0x6f: {  	[sflag:s23] =	ssyncadd.s32 $0xFFFFE700  }
0x70: {  	_ =	swait.ge [sflag:s23], $0x1900  }
0x71: {  	[sflag:s23] =	ssyncset.done $0x0  }
0x72: {  	[sflag:s23] =	ssyncadd.s32 $0xFFFFE700  }
0x73: {  	_ =	swait.ge [sflag:s23], $0x1900  }
0x74: {  	[sflag:s23] =	ssyncset.done $0x0  }
0x75: {  	[sflag:s23] =	ssyncadd.s32 $0xFFFFE700  }
0x76: {  	_ =	swait.ge [sflag:s23], $0x1900  }
0x77: {  	[sflag:s23] =	ssyncset.done $0x0  }
0x78: {  	[sflag:s23] =	ssyncadd.s32 $0xFFFFE700  }
0x79: {  	_ =	swait.ge [sflag:s23], $0x1900  }
0x7a: {  	[sflag:s23] =	ssyncset.done $0x0  }
0x7b: {  	s6 =	sadd.s32 $0x380, s30;
	[sflag:s23] =	ssyncadd.s32 $0xFFFFE700  }
0x7c: {  	[hbm4b:s30+s2] =	stream.linear.scatter [tilespmem:s29], [sflag:$0x2], $0x1900, $0x38;
	[tilespmem:$0x1D000] =	vst v63  }
0x7d: {  	s7 =	sadd.s32 $0x700, s30;
	[smem:$0x7E2] =	sst s6  }
0x7e: {  	[hbm4b:s6+s2] =	stream.linear.scatter [tilespmem:s3], [sflag:$0x2], $0x1900, $0x38;
	[tilespmem:$0x1D000] =	vst v63  }
0x7f: {  	s24 =	sadd.s32 $0xA80, s30;
	[smem:$0x7E3] =	sst s7  }
0x80: {  	[hbm4b:s7+s2] =	stream.linear.scatter [tilespmem:s5], [sflag:$0x2], $0x1900, $0x38;
	[tilespmem:$0x1D000] =	vst v63  }
0x81: {  	s26 =	sadd.s32 $0xE00, s30;
	[smem:$0x7E4] =	sst s24  }
0x82: {  	[hbm4b:s24+s2] =	stream.linear.scatter [tilespmem:s8], [sflag:$0x2], $0x1900, $0x38;
	[tilespmem:$0x1D000] =	vst v63  }
0x83: {  	s1 =	sadd.s32 $0x1180, s30;
	[smem:$0x7E5] =	sst s26  }
0x84: {  	[hbm4b:s26+s2] =	stream.linear.scatter [tilespmem:s9], [sflag:$0x2], $0x1900, $0x38;
	[tilespmem:$0x1D000] =	vst v63  }
0x85: {  	[smem:$0x7E6] =	sst s1;
	s6 =	sadd.s32 $0x1500, s30  }
0x86: {  	[hbm4b:s1+s2] =	stream.linear.scatter [tilespmem:s10], [sflag:$0x2], $0x1900, $0x38;
	[tilespmem:$0x1D000] =	vst v63  }
0x87: {  	[smem:$0x7E7] =	sst s6;
	s7 =	sadd.s32 $0x1880, s30  }
0x88: {  	[hbm4b:s6+s2] =	stream.linear.scatter [tilespmem:s11], [sflag:$0x2], $0x1900, $0x38;
	[tilespmem:$0x1D000] =	vst v63  }
0x89: {  	[smem:$0x7E8] =	sst s7;
	s24 =	sadd.s32 $0x1C00, s30  }
0x8a: {  	[hbm4b:s7+s2] =	stream.linear.scatter [tilespmem:s12], [sflag:$0x2], $0x1900, $0x38;
	[tilespmem:$0x1D000] =	vst v63  }
0x8b: {  	[smem:$0x7E9] =	sst s24;
	s26 =	sadd.s32 $0x1F80, s30  }
0x8c: {  	[hbm4b:s24+s2] =	stream.linear.scatter [tilespmem:s13], [sflag:$0x2], $0x1900, $0x38;
	[tilespmem:$0x1D000] =	vst v63  }
0x8d: {  	[smem:$0x7EA] =	sst s26;
	s1 =	sadd.s32 $0x2300, s30  }
0x8e: {  	[hbm4b:s26+s2] =	stream.linear.scatter [tilespmem:s14], [sflag:$0x2], $0x1900, $0x38;
	[tilespmem:$0x1D000] =	vst v63  }
0x8f: {  	[smem:$0x7EB] =	sst s1;
	s6 =	sadd.s32 $0x2680, s30  }
0x90: {  	[hbm4b:s1+s2] =	stream.linear.scatter [tilespmem:s16], [sflag:$0x2], $0x1900, $0x38;
	[tilespmem:$0x1D000] =	vst v63  }
0x91: {  	[smem:$0x7EC] =	sst s6;
	s7 =	sadd.s32 $0x2A00, s30  }
0x92: {  	[hbm4b:s6+s2] =	stream.linear.scatter [tilespmem:s17], [sflag:$0x2], $0x1900, $0x38;
	[tilespmem:$0x1D000] =	vst v63  }
0x93: {  	[smem:$0x7ED] =	sst s7;
	s24 =	sadd.s32 $0x2D80, s30  }
0x94: {  	[hbm4b:s7+s2] =	stream.linear.scatter [tilespmem:s18], [sflag:$0x2], $0x1900, $0x38;
	[tilespmem:$0x1D000] =	vst v63  }
0x95: {  	[smem:$0x7EE] =	sst s24;
	s26 =	sadd.s32 $0x3100, s30  }
0x96: {  	[hbm4b:s24+s2] =	stream.linear.scatter [tilespmem:s19], [sflag:$0x2], $0x1900, $0x38;
	[tilespmem:$0x1D000] =	vst v63  }
0x97: {  	[smem:$0x7EF] =	sst s26;
	s1 =	sadd.s32 $0x3480, s30  }
0x98: {  	[hbm4b:s26+s2] =	stream.linear.scatter [tilespmem:s20], [sflag:$0x2], $0x1900, $0x38;
	[tilespmem:$0x1D000] =	vst v63  }
0x99: {  	[smem:$0x7F0] =	sst s1  }
0x9a: {  	[hbm4b:s1+s2] =	stream.linear.scatter [tilespmem:s21], [sflag:$0x2], $0x1900, $0x38;
	[tilespmem:$0x1D000] =	vst v63  }
0x9b: {  	_ =	swait.ge [sflag:s4], $0x19000  }
0x9c: {  	s6 =	rddreg [dreg:$0x13];
	[sflag:s4] =	ssyncset.done $0x0  }
0x9d: {  	s7 =	rddreg [dreg:$0x14];
	[sflag:s4] =	ssyncadd.s32 $0xFFFE7000  }
0x9e: {  	[tilespmem:s29], [sflag:$0x1] =	stream.indirect.gather [hbm4b:s15+s22], $0x80, s6, s22, $0xb8;
	[tilespmem:$0x1D000] =	vst v63  }
0x9f: {  	s24 =	rddreg [dreg:$0x15]  }
0xa0: {  	[tilespmem:s3], [sflag:$0x1] =	stream.indirect.gather [hbm4b:s15+s22], $0x80, s7, s22, $0xb8;
	[tilespmem:$0x1D000] =	vst v63  }
0xa1: {  	s26 =	rddreg [dreg:$0x16]  }
0xa2: {  	[tilespmem:s5], [sflag:$0x1] =	stream.indirect.gather [hbm4b:s15+s22], $0x80, s24, s22, $0xb8;
	[tilespmem:$0x1D000] =	vst v63  }
0xa3: {  	s6 =	rddreg [dreg:$0x17]  }
0xa4: {  	[tilespmem:s8], [sflag:$0x1] =	stream.indirect.gather [hbm4b:s15+s22], $0x80, s26, s22, $0xb8;
	[tilespmem:$0x1D000] =	vst v63  }
0xa5: {  	s7 =	rddreg [dreg:$0x18]  }
0xa6: {  	[tilespmem:s9], [sflag:$0x1] =	stream.indirect.gather [hbm4b:s15+s22], $0x80, s6, s22, $0xb8;
	[tilespmem:$0x1D000] =	vst v63  }
0xa7: {  	s24 =	rddreg [dreg:$0x19]  }
0xa8: {  	[tilespmem:s10], [sflag:$0x1] =	stream.indirect.gather [hbm4b:s15+s22], $0x80, s7, s22, $0xb8;
	[tilespmem:$0x1D000] =	vst v63  }
0xa9: {  	s26 =	rddreg [dreg:$0x1a]  }
0xaa: {  	[tilespmem:s11], [sflag:$0x1] =	stream.indirect.gather [hbm4b:s15+s22], $0x80, s24, s22, $0xb8;
	[tilespmem:$0x1D000] =	vst v63  }
0xab: {  	s6 =	rddreg [dreg:$0x1b]  }
0xac: {  	[tilespmem:s12], [sflag:$0x1] =	stream.indirect.gather [hbm4b:s15+s22], $0x80, s26, s22, $0xb8;
	[tilespmem:$0x1D000] =	vst v63  }
0xad: {  	s7 =	rddreg [dreg:$0x1c]  }
0xae: {  	[tilespmem:s13], [sflag:$0x1] =	stream.indirect.gather [hbm4b:s15+s22], $0x80, s6, s22, $0xb8;
	[tilespmem:$0x1D000] =	vst v63  }
0xaf: {  	s24 =	rddreg [dreg:$0x1d]  }
0xb0: {  	[tilespmem:s14], [sflag:$0x1] =	stream.indirect.gather [hbm4b:s15+s22], $0x80, s7, s22, $0xb8;
	[tilespmem:$0x1D000] =	vst v63  }
0xb1: {  	s26 =	rddreg [dreg:$0x1e]  }
0xb2: {  	[tilespmem:s16], [sflag:$0x1] =	stream.indirect.gather [hbm4b:s15+s22], $0x80, s24, s22, $0xb8;
	[tilespmem:$0x1D000] =	vst v63  }
0xb3: {  	s6 =	rddreg [dreg:$0x1f]  }
0xb4: {  	[tilespmem:s17], [sflag:$0x1] =	stream.indirect.gather [hbm4b:s15+s22], $0x80, s26, s22, $0xb8;
	[tilespmem:$0x1D000] =	vst v63  }
0xb5: {  	s7 =	sld [smem:$0x7FB]  }
0xb6: {  	[tilespmem:s18], [sflag:$0x1] =	stream.indirect.gather [hbm4b:s15+s22], $0x80, s6, s22, $0xb8;
	[tilespmem:$0x1D000] =	vst v63  }
0xb7: {  	s24 =	sld [smem:$0x7FC]  }
0xb8: {  	[tilespmem:s19], [sflag:$0x1] =	stream.indirect.gather [hbm4b:s15+s22], $0x80, s7, s22, $0xb8;
	[tilespmem:$0x1D000] =	vst v63  }
0xb9: {  	s26 =	sld [smem:$0x7FD]  }
0xba: {  	[tilespmem:s20], [sflag:$0x1] =	stream.indirect.gather [hbm4b:s15+s22], $0x80, s24, s22, $0xb8;
	[tilespmem:$0x1D000] =	vst v63  }
0xbb: {  	_ = 	snop  }
0xbc: {  	[tilespmem:s21], [sflag:$0x1] =	stream.indirect.gather [hbm4b:s15+s22], $0x80, s26, s22, $0xb8;
	[tilespmem:$0x1D000] =	vst v63  }
0xbd: {  	_ =	swait.ge [sflag:s23], $0x1900  }
0xbe: {  	[sflag:s23] =	ssyncset.done $0x0  }
0xbf: {  	[sflag:s23] =	ssyncadd.s32 $0xFFFFE700  }
0xc0: {  	_ =	swait.ge [sflag:s23], $0x1900  }
0xc1: {  	[sflag:s23] =	ssyncset.done $0x0  }
0xc2: {  	[sflag:s23] =	ssyncadd.s32 $0xFFFFE700  }
0xc3: {  	_ =	swait.ge [sflag:s23], $0x1900  }
0xc4: {  	[sflag:s23] =	ssyncset.done $0x0  }
0xc5: {  	[sflag:s23] =	ssyncadd.s32 $0xFFFFE700  }
0xc6: {  	_ =	swait.ge [sflag:s23], $0x1900  }
0xc7: {  	[sflag:s23] =	ssyncset.done $0x0  }
0xc8: {  	[sflag:s23] =	ssyncadd.s32 $0xFFFFE700  }
0xc9: {  	_ =	swait.ge [sflag:s23], $0x1900  }
0xca: {  	[sflag:s23] =	ssyncset.done $0x0  }
0xcb: {  	[sflag:s23] =	ssyncadd.s32 $0xFFFFE700  }
0xcc: {  	_ =	swait.ge [sflag:s23], $0x1900  }
0xcd: {  	[sflag:s23] =	ssyncset.done $0x0  }
0xce: {  	[sflag:s23] =	ssyncadd.s32 $0xFFFFE700  }
0xcf: {  	_ =	swait.ge [sflag:s23], $0x1900  }
0xd0: {  	[sflag:s23] =	ssyncset.done $0x0  }
0xd1: {  	[sflag:s23] =	ssyncadd.s32 $0xFFFFE700  }
0xd2: {  	_ =	swait.ge [sflag:s23], $0x1900  }
0xd3: {  	[sflag:s23] =	ssyncset.done $0x0  }
0xd4: {  	[sflag:s23] =	ssyncadd.s32 $0xFFFFE700  }
0xd5: {  	_ =	swait.ge [sflag:s23], $0x1900  }
0xd6: {  	[sflag:s23] =	ssyncset.done $0x0  }
0xd7: {  	[sflag:s23] =	ssyncadd.s32 $0xFFFFE700  }
0xd8: {  	_ =	swait.ge [sflag:s23], $0x1900  }
0xd9: {  	[sflag:s23] =	ssyncset.done $0x0  }
0xda: {  	[sflag:s23] =	ssyncadd.s32 $0xFFFFE700  }
0xdb: {  	_ =	swait.ge [sflag:s23], $0x1900  }
0xdc: {  	[sflag:s23] =	ssyncset.done $0x0  }
0xdd: {  	[sflag:s23] =	ssyncadd.s32 $0xFFFFE700  }
0xde: {  	_ =	swait.ge [sflag:s23], $0x1900  }
0xdf: {  	[sflag:s23] =	ssyncset.done $0x0  }
0xe0: {  	[sflag:s23] =	ssyncadd.s32 $0xFFFFE700  }
0xe1: {  	_ =	swait.ge [sflag:s23], $0x1900  }
0xe2: {  	[sflag:s23] =	ssyncset.done $0x0  }
0xe3: {  	[sflag:s23] =	ssyncadd.s32 $0xFFFFE700  }
0xe4: {  	_ =	swait.ge [sflag:s23], $0x1900  }
0xe5: {  	[sflag:s23] =	ssyncset.done $0x0  }
0xe6: {  	[sflag:s23] =	ssyncadd.s32 $0xFFFFE700  }
0xe7: {  	_ =	swait.ge [sflag:s23], $0x1900  }
0xe8: {  	[sflag:s23] =	ssyncset.done $0x0  }
0xe9: {  	[sflag:s23] =	ssyncadd.s32 $0xFFFFE700  }
0xea: {  	_ =	swait.ge [sflag:s23], $0x1900  }
0xeb: {  	[sflag:s23] =	ssyncset.done $0x0  }
0xec: {  	[sflag:s23] =	ssyncadd.s32 $0xFFFFE700  }
0xed: {  	[hbm4b:s28+s2] =	stream.linear.scatter [tilespmem:s29], [sflag:$0x2], $0x1900, $0x38;
	[tilespmem:$0x1D000] =	vst v63  }
0xee: {  	s1 =	sadd.s32 $0x380, s28  }
0xef: {  	[hbm4b:s1+s2] =	stream.linear.scatter [tilespmem:s3], [sflag:$0x2], $0x1900, $0x38;
	[tilespmem:$0x1D000] =	vst v63  }
0xf0: {  	s6 =	sadd.s32 $0x700, s28  }
0xf1: {  	[hbm4b:s6+s2] =	stream.linear.scatter [tilespmem:s5], [sflag:$0x2], $0x1900, $0x38;
	[tilespmem:$0x1D000] =	vst v63  }
0xf2: {  	s7 =	sadd.s32 $0xA80, s28  }
0xf3: {  	[hbm4b:s7+s2] =	stream.linear.scatter [tilespmem:s8], [sflag:$0x2], $0x1900, $0x38;
	[tilespmem:$0x1D000] =	vst v63  }
0xf4: {  	s24 =	sadd.s32 $0xE00, s28  }
0xf5: {  	[hbm4b:s24+s2] =	stream.linear.scatter [tilespmem:s9], [sflag:$0x2], $0x1900, $0x38;
	[tilespmem:$0x1D000] =	vst v63  }
0xf6: {  	s26 =	sadd.s32 $0x1180, s28  }
0xf7: {  	[hbm4b:s26+s2] =	stream.linear.scatter [tilespmem:s10], [sflag:$0x2], $0x1900, $0x38;
	[tilespmem:$0x1D000] =	vst v63  }
0xf8: {  	[smem:$0x7F1] =	sst s1;
	s1 =	sadd.s32 $0x1500, s28  }
0xf9: {  	[hbm4b:s1+s2] =	stream.linear.scatter [tilespmem:s11], [sflag:$0x2], $0x1900, $0x38;
	[tilespmem:$0x1D000] =	vst v63  }
0xfa: {  	s3 =	sadd.s32 $0x1880, s28  }
0xfb: {  	[hbm4b:s3+s2] =	stream.linear.scatter [tilespmem:s12], [sflag:$0x2], $0x1900, $0x38;
	[tilespmem:$0x1D000] =	vst v63  }
0xfc: {  	[smem:$0x7F2] =	sst s6;
	s5 =	sadd.s32 $0x1C00, s28  }
0xfd: {  	[hbm4b:s5+s2] =	stream.linear.scatter [tilespmem:s13], [sflag:$0x2], $0x1900, $0x38;
	[tilespmem:$0x1D000] =	vst v63  }
0xfe: {  	[smem:$0x7F3] =	sst s7;
	s6 =	sadd.s32 $0x1F80, s28  }
0xff: {  	[hbm4b:s6+s2] =	stream.linear.scatter [tilespmem:s14], [sflag:$0x2], $0x1900, $0x38;
	[tilespmem:$0x1D000] =	vst v63  }
0x100: {  	[smem:$0x7F4] =	sst s24;
	s7 =	sadd.s32 $0x2300, s28  }
0x101: {  	[hbm4b:s7+s2] =	stream.linear.scatter [tilespmem:s16], [sflag:$0x2], $0x1900, $0x38;
	[tilespmem:$0x1D000] =	vst v63  }
0x102: {  	[smem:$0x7F5] =	sst s26;
	s24 =	sadd.s32 $0x2680, s28  }
0x103: {  	[hbm4b:s24+s2] =	stream.linear.scatter [tilespmem:s17], [sflag:$0x2], $0x1900, $0x38;
	[tilespmem:$0x1D000] =	vst v63  }
0x104: {  	[smem:$0x7F6] =	sst s1;
	s26 =	sadd.s32 $0x2A00, s28  }
0x105: {  	[hbm4b:s26+s2] =	stream.linear.scatter [tilespmem:s18], [sflag:$0x2], $0x1900, $0x38;
	[tilespmem:$0x1D000] =	vst v63  }
0x106: {  	s0 =	sadd.s32 $0x2D80, s28;
	[smem:$0x7F7] =	sst s3  }
0x107: {  	[hbm4b:s0+s2] =	stream.linear.scatter [tilespmem:s19], [sflag:$0x2], $0x1900, $0x38;
	[tilespmem:$0x1D000] =	vst v63  }
0x108: {  	p1 =	sne.s32 s25, $0x1;
	[smem:$0x7F8] =	sst s5;
	s3 =	sadd.s32 $0x3100, s28  }
0x109: {  	[hbm4b:s3+s2] =	stream.linear.scatter [tilespmem:s20], [sflag:$0x2], $0x1900, $0x38;
	[tilespmem:$0x1D000] =	vst v63  }
.Ltmp1:
0x10a: {  	s31 =	simm.s32 $0x4800;
	[smem:$0x7F9] =	sst s6;
	(pc) =	sbr.rel @!p1 .LBB2_2-.Ltmp1, $4  }
0x10b: {  	[smem:$0x7FA] =	sst s7;
	s5 =	smov.u32 s24;
	s24 =	sadd.s32 $0x3480, s28  }
0x10c: {  	[hbm4b:s24+s2] =	stream.linear.scatter [tilespmem:s21], [sflag:$0x2], $0x1900, $0x38;
	[tilespmem:$0x1D000] =	vst v63  }
0x10d: {  	s25 =	sadd.s32 $0xFFFFFFFF, s25;
	p0 =	por $0x1, $0x1;
	_ =	swait.ge [sflag:s4], $0x19000  }
0x10e: {  	s6 =	smov.u32 s26;
	s7 =	simm.s32 $0x2C00;
	[sflag:s4] =	ssyncset.done $0x0  }
.LBB2_3:
0x10f: {  	s26 =	rddreg [dreg:$0x3];
	[sflag:s4] =	ssyncadd.s32 $0xFFFE7000  }
0x110: {  	[tilespmem:s2], [sflag:$0x2] =	stream.linear.gather [hbm4b:s26+s2], $0x1000, $0x38;
	[tilespmem:$0x1D000] =	vst v63  }
0x111: {  	_ =	swait.ge [sflag:s4], $0x1000  }
0x112: {  	[sflag:s4] =	ssyncset.done $0x0  }
0x113: {  	[sflag:s4] =	ssyncadd.s32 $0xFFFFF000  }
0x114: {  	[tilespmem:s29], [sflag:$0x1] =	stream.indirect.gather [hbm4b:s15+s22], $0x80, s2, s22, $0xb8;
	[tilespmem:$0x1D000] =	vst v63  }
0x115: {  	s26 =	rddreg [dreg:$0x4]  }
0x116: {  	[tilespmem:s7], [sflag:$0x1] =	stream.indirect.gather [hbm4b:s15+s22], $0x80, s26, s22, $0xb8;
	[tilespmem:$0x1D000] =	vst v63  }
0x117: {  	s29 =	smov.u32 s28;
	s28 =	rddreg [dreg:$0x5]  }
0x118: {  	[tilespmem:s31], [sflag:$0x1] =	stream.indirect.gather [hbm4b:s15+s22], $0x80, s28, s22, $0xb8;
	[tilespmem:$0x1D000] =	vst v63  }
0x119: {  	s26 =	rddreg [dreg:$0x6]  }
0x11a: {  	[tilespmem:s8], [sflag:$0x1] =	stream.indirect.gather [hbm4b:s15+s22], $0x80, s26, s22, $0xb8;
	[tilespmem:$0x1D000] =	vst v63  }
0x11b: {  	s28 =	rddreg [dreg:$0x7]  }
0x11c: {  	[tilespmem:s9], [sflag:$0x1] =	stream.indirect.gather [hbm4b:s15+s22], $0x80, s28, s22, $0xb8;
	[tilespmem:$0x1D000] =	vst v63  }
0x11d: {  	s26 =	rddreg [dreg:$0x8]  }
0x11e: {  	[tilespmem:s10], [sflag:$0x1] =	stream.indirect.gather [hbm4b:s15+s22], $0x80, s26, s22, $0xb8;
	[tilespmem:$0x1D000] =	vst v63  }
0x11f: {  	s28 =	rddreg [dreg:$0x9]  }
0x120: {  	[tilespmem:s11], [sflag:$0x1] =	stream.indirect.gather [hbm4b:s15+s22], $0x80, s28, s22, $0xb8;
	[tilespmem:$0x1D000] =	vst v63  }
0x121: {  	s26 =	rddreg [dreg:$0xa]  }
0x122: {  	[tilespmem:s12], [sflag:$0x1] =	stream.indirect.gather [hbm4b:s15+s22], $0x80, s26, s22, $0xb8;
	[tilespmem:$0x1D000] =	vst v63  }
0x123: {  	s28 =	rddreg [dreg:$0xb]  }
0x124: {  	[tilespmem:s13], [sflag:$0x1] =	stream.indirect.gather [hbm4b:s15+s22], $0x80, s28, s22, $0xb8;
	[tilespmem:$0x1D000] =	vst v63  }
0x125: {  	s26 =	rddreg [dreg:$0xc]  }
0x126: {  	[tilespmem:s14], [sflag:$0x1] =	stream.indirect.gather [hbm4b:s15+s22], $0x80, s26, s22, $0xb8;
	[tilespmem:$0x1D000] =	vst v63  }
0x127: {  	s28 =	rddreg [dreg:$0xd]  }
0x128: {  	[tilespmem:s16], [sflag:$0x1] =	stream.indirect.gather [hbm4b:s15+s22], $0x80, s28, s22, $0xb8;
	[tilespmem:$0x1D000] =	vst v63  }
0x129: {  	s26 =	rddreg [dreg:$0xe]  }
0x12a: {  	[tilespmem:s17], [sflag:$0x1] =	stream.indirect.gather [hbm4b:s15+s22], $0x80, s26, s22, $0xb8;
	[tilespmem:$0x1D000] =	vst v63  }
0x12b: {  	s28 =	rddreg [dreg:$0xf]  }
0x12c: {  	[tilespmem:s18], [sflag:$0x1] =	stream.indirect.gather [hbm4b:s15+s22], $0x80, s28, s22, $0xb8;
	[tilespmem:$0x1D000] =	vst v63  }
0x12d: {  	s26 =	rddreg [dreg:$0x10]  }
0x12e: {  	[tilespmem:s19], [sflag:$0x1] =	stream.indirect.gather [hbm4b:s15+s22], $0x80, s26, s22, $0xb8;
	[tilespmem:$0x1D000] =	vst v63  }
0x12f: {  	s28 =	rddreg [dreg:$0x11]  }
0x130: {  	[tilespmem:s20], [sflag:$0x1] =	stream.indirect.gather [hbm4b:s15+s22], $0x80, s28, s22, $0xb8;
	[tilespmem:$0x1D000] =	vst v63  }
0x131: {  	s26 =	rddreg [dreg:$0x12]  }
0x132: {  	[tilespmem:s21], [sflag:$0x1] =	stream.indirect.gather [hbm4b:s15+s22], $0x80, s26, s22, $0xb8;
	[tilespmem:$0x1D000] =	vst v63  }
0x133: {  	_ =	swait.ge [sflag:s23], $0x1900  }
0x134: {  	[sflag:s23] =	ssyncset.done $0x0  }
0x135: {  	[sflag:s23] =	ssyncadd.s32 $0xFFFFE700  }
0x136: {  	_ =	swait.ge [sflag:s23], $0x1900  }
0x137: {  	[sflag:s23] =	ssyncset.done $0x0  }
0x138: {  	[sflag:s23] =	ssyncadd.s32 $0xFFFFE700  }
0x139: {  	_ =	swait.ge [sflag:s23], $0x1900  }
0x13a: {  	[sflag:s23] =	ssyncset.done $0x0  }
0x13b: {  	[sflag:s23] =	ssyncadd.s32 $0xFFFFE700  }
0x13c: {  	_ =	swait.ge [sflag:s23], $0x1900  }
0x13d: {  	[sflag:s23] =	ssyncset.done $0x0  }
0x13e: {  	[sflag:s23] =	ssyncadd.s32 $0xFFFFE700  }
0x13f: {  	_ =	swait.ge [sflag:s23], $0x1900  }
0x140: {  	[sflag:s23] =	ssyncset.done $0x0  }
0x141: {  	[sflag:s23] =	ssyncadd.s32 $0xFFFFE700  }
0x142: {  	_ =	swait.ge [sflag:s23], $0x1900  }
0x143: {  	[sflag:s23] =	ssyncset.done $0x0  }
0x144: {  	[sflag:s23] =	ssyncadd.s32 $0xFFFFE700  }
0x145: {  	_ =	swait.ge [sflag:s23], $0x1900  }
0x146: {  	[sflag:s23] =	ssyncset.done $0x0  }
0x147: {  	[sflag:s23] =	ssyncadd.s32 $0xFFFFE700  }
0x148: {  	_ =	swait.ge [sflag:s23], $0x1900  }
0x149: {  	[sflag:s23] =	ssyncset.done $0x0  }
0x14a: {  	[sflag:s23] =	ssyncadd.s32 $0xFFFFE700  }
0x14b: {  	_ =	swait.ge [sflag:s23], $0x1900  }
0x14c: {  	[sflag:s23] =	ssyncset.done $0x0  }
0x14d: {  	[sflag:s23] =	ssyncadd.s32 $0xFFFFE700  }
0x14e: {  	_ =	swait.ge [sflag:s23], $0x1900  }
0x14f: {  	[sflag:s23] =	ssyncset.done $0x0  }
0x150: {  	[sflag:s23] =	ssyncadd.s32 $0xFFFFE700  }
0x151: {  	_ =	swait.ge [sflag:s23], $0x1900  }
0x152: {  	[sflag:s23] =	ssyncset.done $0x0  }
0x153: {  	[sflag:s23] =	ssyncadd.s32 $0xFFFFE700  }
0x154: {  	_ =	swait.ge [sflag:s23], $0x1900  }
0x155: {  	[sflag:s23] =	ssyncset.done $0x0  }
0x156: {  	[sflag:s23] =	ssyncadd.s32 $0xFFFFE700  }
0x157: {  	_ =	swait.ge [sflag:s23], $0x1900  }
0x158: {  	[sflag:s23] =	ssyncset.done $0x0  }
0x159: {  	[sflag:s23] =	ssyncadd.s32 $0xFFFFE700  }
0x15a: {  	_ =	swait.ge [sflag:s23], $0x1900  }
0x15b: {  	[sflag:s23] =	ssyncset.done $0x0  }
0x15c: {  	[sflag:s23] =	ssyncadd.s32 $0xFFFFE700  }
0x15d: {  	_ =	swait.ge [sflag:s23], $0x1900  }
0x15e: {  	[sflag:s23] =	ssyncset.done $0x0  }
0x15f: {  	[sflag:s23] =	ssyncadd.s32 $0xFFFFE700  }
0x160: {  	_ =	swait.ge [sflag:s23], $0x1900  }
0x161: {  	[sflag:s23] =	ssyncset.done $0x0  }
0x162: {  	s1 =	simm.s32 $0x1000;
	s26 =	sld [smem:$0x7E2];
	[sflag:s23] =	ssyncadd.s32 $0xFFFFE700  }
0x163: {  	[hbm4b:s30+s2] =	stream.linear.scatter [tilespmem:s1], [sflag:$0x2], $0x1900, $0x38;
	[tilespmem:$0x1D000] =	vst v63  }
0x164: {  	_ = 	snop  }
0x165: {  	[hbm4b:s26+s2] =	stream.linear.scatter [tilespmem:s7], [sflag:$0x2], $0x1900, $0x38;
	[tilespmem:$0x1D000] =	vst v63  }
0x166: {  	s26 =	sld [smem:$0x7E3];
	_ =	sdelay $0x2  }
0x167: {  	[hbm4b:s26+s2] =	stream.linear.scatter [tilespmem:s31], [sflag:$0x2], $0x1900, $0x38;
	[tilespmem:$0x1D000] =	vst v63  }
0x168: {  	s26 =	sld [smem:$0x7E4];
	_ =	sdelay $0x2  }
0x169: {  	[hbm4b:s26+s2] =	stream.linear.scatter [tilespmem:s8], [sflag:$0x2], $0x1900, $0x38;
	[tilespmem:$0x1D000] =	vst v63  }
0x16a: {  	s26 =	sld [smem:$0x7E5];
	_ =	sdelay $0x2  }
0x16b: {  	[hbm4b:s26+s2] =	stream.linear.scatter [tilespmem:s9], [sflag:$0x2], $0x1900, $0x38;
	[tilespmem:$0x1D000] =	vst v63  }
0x16c: {  	s26 =	sld [smem:$0x7E6];
	_ =	sdelay $0x2  }
0x16d: {  	[hbm4b:s26+s2] =	stream.linear.scatter [tilespmem:s10], [sflag:$0x2], $0x1900, $0x38;
	[tilespmem:$0x1D000] =	vst v63  }
0x16e: {  	s26 =	sld [smem:$0x7E7];
	_ =	sdelay $0x2  }
0x16f: {  	[hbm4b:s26+s2] =	stream.linear.scatter [tilespmem:s11], [sflag:$0x2], $0x1900, $0x38;
	[tilespmem:$0x1D000] =	vst v63  }
0x170: {  	s26 =	sld [smem:$0x7E8];
	_ =	sdelay $0x2  }
0x171: {  	[hbm4b:s26+s2] =	stream.linear.scatter [tilespmem:s12], [sflag:$0x2], $0x1900, $0x38;
	[tilespmem:$0x1D000] =	vst v63  }
0x172: {  	s26 =	sld [smem:$0x7E9];
	_ =	sdelay $0x2  }
0x173: {  	[hbm4b:s26+s2] =	stream.linear.scatter [tilespmem:s13], [sflag:$0x2], $0x1900, $0x38;
	[tilespmem:$0x1D000] =	vst v63  }
0x174: {  	s26 =	sld [smem:$0x7EA];
	_ =	sdelay $0x2  }
0x175: {  	[hbm4b:s26+s2] =	stream.linear.scatter [tilespmem:s14], [sflag:$0x2], $0x1900, $0x38;
	[tilespmem:$0x1D000] =	vst v63  }
0x176: {  	s26 =	sld [smem:$0x7EB];
	_ =	sdelay $0x2  }
0x177: {  	[hbm4b:s26+s2] =	stream.linear.scatter [tilespmem:s16], [sflag:$0x2], $0x1900, $0x38;
	[tilespmem:$0x1D000] =	vst v63  }
0x178: {  	s26 =	sld [smem:$0x7EC];
	_ =	sdelay $0x2  }
0x179: {  	[hbm4b:s26+s2] =	stream.linear.scatter [tilespmem:s17], [sflag:$0x2], $0x1900, $0x38;
	[tilespmem:$0x1D000] =	vst v63  }
0x17a: {  	s26 =	sld [smem:$0x7ED];
	_ =	sdelay $0x2  }
0x17b: {  	[hbm4b:s26+s2] =	stream.linear.scatter [tilespmem:s18], [sflag:$0x2], $0x1900, $0x38;
	[tilespmem:$0x1D000] =	vst v63  }
0x17c: {  	s26 =	sld [smem:$0x7EE];
	_ =	sdelay $0x2  }
0x17d: {  	[hbm4b:s26+s2] =	stream.linear.scatter [tilespmem:s19], [sflag:$0x2], $0x1900, $0x38;
	[tilespmem:$0x1D000] =	vst v63  }
0x17e: {  	s26 =	sld [smem:$0x7EF];
	_ =	sdelay $0x2  }
0x17f: {  	[hbm4b:s26+s2] =	stream.linear.scatter [tilespmem:s20], [sflag:$0x2], $0x1900, $0x38;
	[tilespmem:$0x1D000] =	vst v63  }
0x180: {  	s26 =	sld [smem:$0x7F0];
	_ =	sdelay $0x2  }
0x181: {  	[hbm4b:s26+s2] =	stream.linear.scatter [tilespmem:s21], [sflag:$0x2], $0x1900, $0x38;
	[tilespmem:$0x1D000] =	vst v63  }
0x182: {  	_ =	swait.ge [sflag:s4], $0x19000  }
0x183: {  	s26 =	rddreg [dreg:$0x13];
	[sflag:s4] =	ssyncset.done $0x0  }
0x184: {  	s28 =	rddreg [dreg:$0x14];
	[sflag:s4] =	ssyncadd.s32 $0xFFFE7000  }
0x185: {  	[tilespmem:s1], [sflag:$0x1] =	stream.indirect.gather [hbm4b:s15+s22], $0x80, s26, s22, $0xb8;
	[tilespmem:$0x1D000] =	vst v63  }
0x186: {  	s1 =	rddreg [dreg:$0x15]  }
0x187: {  	[tilespmem:s7], [sflag:$0x1] =	stream.indirect.gather [hbm4b:s15+s22], $0x80, s28, s22, $0xb8;
	[tilespmem:$0x1D000] =	vst v63  }
0x188: {  	s28 =	rddreg [dreg:$0x16]  }
0x189: {  	[tilespmem:s31], [sflag:$0x1] =	stream.indirect.gather [hbm4b:s15+s22], $0x80, s1, s22, $0xb8;
	[tilespmem:$0x1D000] =	vst v63  }
0x18a: {  	s1 =	rddreg [dreg:$0x17]  }
0x18b: {  	[tilespmem:s8], [sflag:$0x1] =	stream.indirect.gather [hbm4b:s15+s22], $0x80, s28, s22, $0xb8;
	[tilespmem:$0x1D000] =	vst v63  }
0x18c: {  	s28 =	rddreg [dreg:$0x18]  }
0x18d: {  	[tilespmem:s9], [sflag:$0x1] =	stream.indirect.gather [hbm4b:s15+s22], $0x80, s1, s22, $0xb8;
	[tilespmem:$0x1D000] =	vst v63  }
0x18e: {  	s1 =	rddreg [dreg:$0x19]  }
0x18f: {  	[tilespmem:s10], [sflag:$0x1] =	stream.indirect.gather [hbm4b:s15+s22], $0x80, s28, s22, $0xb8;
	[tilespmem:$0x1D000] =	vst v63  }
0x190: {  	s28 =	rddreg [dreg:$0x1a]  }
0x191: {  	[tilespmem:s11], [sflag:$0x1] =	stream.indirect.gather [hbm4b:s15+s22], $0x80, s1, s22, $0xb8;
	[tilespmem:$0x1D000] =	vst v63  }
0x192: {  	s1 =	rddreg [dreg:$0x1b]  }
0x193: {  	[tilespmem:s12], [sflag:$0x1] =	stream.indirect.gather [hbm4b:s15+s22], $0x80, s28, s22, $0xb8;
	[tilespmem:$0x1D000] =	vst v63  }
0x194: {  	s28 =	rddreg [dreg:$0x1c]  }
0x195: {  	[tilespmem:s13], [sflag:$0x1] =	stream.indirect.gather [hbm4b:s15+s22], $0x80, s1, s22, $0xb8;
	[tilespmem:$0x1D000] =	vst v63  }
0x196: {  	s1 =	rddreg [dreg:$0x1d]  }
0x197: {  	[tilespmem:s14], [sflag:$0x1] =	stream.indirect.gather [hbm4b:s15+s22], $0x80, s28, s22, $0xb8;
	[tilespmem:$0x1D000] =	vst v63  }
0x198: {  	s28 =	rddreg [dreg:$0x1e]  }
0x199: {  	[tilespmem:s16], [sflag:$0x1] =	stream.indirect.gather [hbm4b:s15+s22], $0x80, s1, s22, $0xb8;
	[tilespmem:$0x1D000] =	vst v63  }
0x19a: {  	s1 =	rddreg [dreg:$0x1f]  }
0x19b: {  	[tilespmem:s17], [sflag:$0x1] =	stream.indirect.gather [hbm4b:s15+s22], $0x80, s28, s22, $0xb8;
	[tilespmem:$0x1D000] =	vst v63  }
0x19c: {  	s28 =	sld [smem:$0x7FB]  }
0x19d: {  	[tilespmem:s18], [sflag:$0x1] =	stream.indirect.gather [hbm4b:s15+s22], $0x80, s1, s22, $0xb8;
	[tilespmem:$0x1D000] =	vst v63  }
0x19e: {  	s1 =	sld [smem:$0x7FC]  }
0x19f: {  	[tilespmem:s19], [sflag:$0x1] =	stream.indirect.gather [hbm4b:s15+s22], $0x80, s28, s22, $0xb8;
	[tilespmem:$0x1D000] =	vst v63  }
0x1a0: {  	s28 =	sld [smem:$0x7FD]  }
0x1a1: {  	[tilespmem:s20], [sflag:$0x1] =	stream.indirect.gather [hbm4b:s15+s22], $0x80, s1, s22, $0xb8;
	[tilespmem:$0x1D000] =	vst v63  }
0x1a2: {  	_ = 	snop  }
0x1a3: {  	[tilespmem:s21], [sflag:$0x1] =	stream.indirect.gather [hbm4b:s15+s22], $0x80, s28, s22, $0xb8;
	[tilespmem:$0x1D000] =	vst v63  }
0x1a4: {  	_ =	swait.ge [sflag:s23], $0x1900  }
0x1a5: {  	[sflag:s23] =	ssyncset.done $0x0  }
0x1a6: {  	[sflag:s23] =	ssyncadd.s32 $0xFFFFE700  }
0x1a7: {  	_ =	swait.ge [sflag:s23], $0x1900  }
0x1a8: {  	[sflag:s23] =	ssyncset.done $0x0  }
0x1a9: {  	[sflag:s23] =	ssyncadd.s32 $0xFFFFE700  }
0x1aa: {  	_ =	swait.ge [sflag:s23], $0x1900  }
0x1ab: {  	[sflag:s23] =	ssyncset.done $0x0  }
0x1ac: {  	[sflag:s23] =	ssyncadd.s32 $0xFFFFE700  }
0x1ad: {  	_ =	swait.ge [sflag:s23], $0x1900  }
0x1ae: {  	[sflag:s23] =	ssyncset.done $0x0  }
0x1af: {  	[sflag:s23] =	ssyncadd.s32 $0xFFFFE700  }
0x1b0: {  	_ =	swait.ge [sflag:s23], $0x1900  }
0x1b1: {  	[sflag:s23] =	ssyncset.done $0x0  }
0x1b2: {  	[sflag:s23] =	ssyncadd.s32 $0xFFFFE700  }
0x1b3: {  	_ =	swait.ge [sflag:s23], $0x1900  }
0x1b4: {  	[sflag:s23] =	ssyncset.done $0x0  }
0x1b5: {  	[sflag:s23] =	ssyncadd.s32 $0xFFFFE700  }
0x1b6: {  	_ =	swait.ge [sflag:s23], $0x1900  }
0x1b7: {  	[sflag:s23] =	ssyncset.done $0x0  }
0x1b8: {  	[sflag:s23] =	ssyncadd.s32 $0xFFFFE700  }
0x1b9: {  	_ =	swait.ge [sflag:s23], $0x1900  }
0x1ba: {  	[sflag:s23] =	ssyncset.done $0x0  }
0x1bb: {  	[sflag:s23] =	ssyncadd.s32 $0xFFFFE700  }
0x1bc: {  	_ =	swait.ge [sflag:s23], $0x1900  }
0x1bd: {  	[sflag:s23] =	ssyncset.done $0x0  }
0x1be: {  	[sflag:s23] =	ssyncadd.s32 $0xFFFFE700  }
0x1bf: {  	_ =	swait.ge [sflag:s23], $0x1900  }
0x1c0: {  	[sflag:s23] =	ssyncset.done $0x0  }
0x1c1: {  	[sflag:s23] =	ssyncadd.s32 $0xFFFFE700  }
0x1c2: {  	_ =	swait.ge [sflag:s23], $0x1900  }
0x1c3: {  	[sflag:s23] =	ssyncset.done $0x0  }
0x1c4: {  	[sflag:s23] =	ssyncadd.s32 $0xFFFFE700  }
0x1c5: {  	_ =	swait.ge [sflag:s23], $0x1900  }
0x1c6: {  	[sflag:s23] =	ssyncset.done $0x0  }
0x1c7: {  	[sflag:s23] =	ssyncadd.s32 $0xFFFFE700  }
0x1c8: {  	_ =	swait.ge [sflag:s23], $0x1900  }
0x1c9: {  	[sflag:s23] =	ssyncset.done $0x0  }
0x1ca: {  	[sflag:s23] =	ssyncadd.s32 $0xFFFFE700  }
0x1cb: {  	_ =	swait.ge [sflag:s23], $0x1900  }
0x1cc: {  	[sflag:s23] =	ssyncset.done $0x0  }
0x1cd: {  	[sflag:s23] =	ssyncadd.s32 $0xFFFFE700  }
0x1ce: {  	_ =	swait.ge [sflag:s23], $0x1900  }
0x1cf: {  	[sflag:s23] =	ssyncset.done $0x0  }
0x1d0: {  	[sflag:s23] =	ssyncadd.s32 $0xFFFFE700  }
0x1d1: {  	_ =	swait.ge [sflag:s23], $0x1900  }
0x1d2: {  	s28 =	smov.u32 s29;
	[sflag:s23] =	ssyncset.done $0x0  }
0x1d3: {  	s29 =	simm.s32 $0x1000;
	s1 =	sld [smem:$0x7F1];
	[sflag:s23] =	ssyncadd.s32 $0xFFFFE700  }
0x1d4: {  	[hbm4b:s28+s2] =	stream.linear.scatter [tilespmem:s29], [sflag:$0x2], $0x1900, $0x38;
	[tilespmem:$0x1D000] =	vst v63  }
0x1d5: {  	_ = 	snop  }
0x1d6: {  	[hbm4b:s1+s2] =	stream.linear.scatter [tilespmem:s7], [sflag:$0x2], $0x1900, $0x38;
	[tilespmem:$0x1D000] =	vst v63  }
0x1d7: {  	s1 =	sld [smem:$0x7F2];
	_ =	sdelay $0x2  }
0x1d8: {  	[hbm4b:s1+s2] =	stream.linear.scatter [tilespmem:s31], [sflag:$0x2], $0x1900, $0x38;
	[tilespmem:$0x1D000] =	vst v63  }
0x1d9: {  	s1 =	sld [smem:$0x7F3];
	_ =	sdelay $0x2  }
0x1da: {  	[hbm4b:s1+s2] =	stream.linear.scatter [tilespmem:s8], [sflag:$0x2], $0x1900, $0x38;
	[tilespmem:$0x1D000] =	vst v63  }
0x1db: {  	s1 =	sld [smem:$0x7F4];
	_ =	sdelay $0x2  }
0x1dc: {  	[hbm4b:s1+s2] =	stream.linear.scatter [tilespmem:s9], [sflag:$0x2], $0x1900, $0x38;
	[tilespmem:$0x1D000] =	vst v63  }
0x1dd: {  	s1 =	sld [smem:$0x7F5];
	_ =	sdelay $0x2  }
0x1de: {  	[hbm4b:s1+s2] =	stream.linear.scatter [tilespmem:s10], [sflag:$0x2], $0x1900, $0x38;
	[tilespmem:$0x1D000] =	vst v63  }
0x1df: {  	s1 =	sld [smem:$0x7F6];
	_ =	sdelay $0x2  }
0x1e0: {  	[hbm4b:s1+s2] =	stream.linear.scatter [tilespmem:s11], [sflag:$0x2], $0x1900, $0x38;
	[tilespmem:$0x1D000] =	vst v63  }
0x1e1: {  	s1 =	sld [smem:$0x7F7];
	_ =	sdelay $0x2  }
0x1e2: {  	[hbm4b:s1+s2] =	stream.linear.scatter [tilespmem:s12], [sflag:$0x2], $0x1900, $0x38;
	[tilespmem:$0x1D000] =	vst v63  }
0x1e3: {  	s1 =	sld [smem:$0x7F8];
	_ =	sdelay $0x2  }
0x1e4: {  	[hbm4b:s1+s2] =	stream.linear.scatter [tilespmem:s13], [sflag:$0x2], $0x1900, $0x38;
	[tilespmem:$0x1D000] =	vst v63  }
0x1e5: {  	s1 =	sld [smem:$0x7F9];
	_ =	sdelay $0x1  }
0x1e6: {  	s26 =	sld [smem:$0x7FA]  }
0x1e7: {  	[hbm4b:s1+s2] =	stream.linear.scatter [tilespmem:s14], [sflag:$0x2], $0x1900, $0x38;
	[tilespmem:$0x1D000] =	vst v63  }
0x1e8: {  	_ = 	snop  }
0x1e9: {  	[hbm4b:s26+s2] =	stream.linear.scatter [tilespmem:s16], [sflag:$0x2], $0x1900, $0x38;
	[tilespmem:$0x1D000] =	vst v63  }
0x1ea: {  	_ = 	snop  }
0x1eb: {  	[hbm4b:s5+s2] =	stream.linear.scatter [tilespmem:s17], [sflag:$0x2], $0x1900, $0x38;
	[tilespmem:$0x1D000] =	vst v63  }
0x1ec: {  	_ = 	snop  }
0x1ed: {  	[hbm4b:s6+s2] =	stream.linear.scatter [tilespmem:s18], [sflag:$0x2], $0x1900, $0x38;
	[tilespmem:$0x1D000] =	vst v63  }
0x1ee: {  	_ = 	snop  }
0x1ef: {  	[hbm4b:s0+s2] =	stream.linear.scatter [tilespmem:s19], [sflag:$0x2], $0x1900, $0x38;
	[tilespmem:$0x1D000] =	vst v63  }
0x1f0: {  	p1 =	sne.s32 s25, $0x1  }
0x1f1: {  	[hbm4b:s3+s2] =	stream.linear.scatter [tilespmem:s20], [sflag:$0x2], $0x1900, $0x38;
	[tilespmem:$0x1D000] =	vst v63  }
.Ltmp2:
0x1f2: {  	_ = 	snop;
	(pc) =	sbr.rel @p1 .LBB2_3-.Ltmp2, $4  }
0x1f3: {  	_ = 	snop  }
0x1f4: {  	[hbm4b:s24+s2] =	stream.linear.scatter [tilespmem:s21], [sflag:$0x2], $0x1900, $0x38;
	[tilespmem:$0x1D000] =	vst v63  }
0x1f5: {  	_ =	swait.ge [sflag:s4], $0x19000  }
0x1f6: {  	s25 =	sadd.s32 $0xFFFFFFFF, s25;
	[sflag:s4] =	ssyncset.done $0x0  }
0x1f7: {  	s24 =	stileid.u32  }
0x1f8: {  	s26 =	rddreg [dreg:$0x2];
	s3 =	simm.s32 $0x2C00;
	s5 =	simm.s32 $0x4800  }
.LBB2_5:
0x1f9: {  	s0 =	rddreg [dreg:$0x3];
	[sflag:s4] =	ssyncadd.s32 @p0 $0xFFFE7000  }
0x1fa: {  	[tilespmem:s2], [sflag:$0x2] =	stream.linear.gather [hbm4b:s0+s2], $0x1000, $0x38;
	[tilespmem:$0x1D000] =	vst v63  }
0x1fb: {  	_ =	swait.ge [sflag:s4], $0x1000  }
0x1fc: {  	[sflag:s4] =	ssyncset.done $0x0  }
0x1fd: {  	[sflag:s4] =	ssyncadd.s32 $0xFFFFF000  }
0x1fe: {  	[tilespmem:s29], [sflag:$0x1] =	stream.indirect.gather [hbm4b:s15+s22], $0x80, s2, s22, $0xb8;
	[tilespmem:$0x1D000] =	vst v63  }
0x1ff: {  	s25 =	rddreg [dreg:$0x4]  }
0x200: {  	[tilespmem:s3], [sflag:$0x1] =	stream.indirect.gather [hbm4b:s15+s22], $0x80, s25, s22, $0xb8;
	[tilespmem:$0x1D000] =	vst v63  }
0x201: {  	s1 =	rddreg [dreg:$0x5]  }
0x202: {  	[tilespmem:s5], [sflag:$0x1] =	stream.indirect.gather [hbm4b:s15+s22], $0x80, s1, s22, $0xb8;
	[tilespmem:$0x1D000] =	vst v63  }
0x203: {  	s31 =	rddreg [dreg:$0x6]  }
0x204: {  	[tilespmem:s8], [sflag:$0x1] =	stream.indirect.gather [hbm4b:s15+s22], $0x80, s31, s22, $0xb8;
	[tilespmem:$0x1D000] =	vst v63  }
0x205: {  	s6 =	rddreg [dreg:$0x7]  }
0x206: {  	[tilespmem:s9], [sflag:$0x1] =	stream.indirect.gather [hbm4b:s15+s22], $0x80, s6, s22, $0xb8;
	[tilespmem:$0x1D000] =	vst v63  }
0x207: {  	s7 =	rddreg [dreg:$0x8]  }
0x208: {  	[tilespmem:s10], [sflag:$0x1] =	stream.indirect.gather [hbm4b:s15+s22], $0x80, s7, s22, $0xb8;
	[tilespmem:$0x1D000] =	vst v63  }
0x209: {  	s25 =	rddreg [dreg:$0x9]  }
0x20a: {  	[tilespmem:s11], [sflag:$0x1] =	stream.indirect.gather [hbm4b:s15+s22], $0x80, s25, s22, $0xb8;
	[tilespmem:$0x1D000] =	vst v63  }
0x20b: {  	s31 =	rddreg [dreg:$0xa]  }
0x20c: {  	[tilespmem:s12], [sflag:$0x1] =	stream.indirect.gather [hbm4b:s15+s22], $0x80, s31, s22, $0xb8;
	[tilespmem:$0x1D000] =	vst v63  }
0x20d: {  	s6 =	rddreg [dreg:$0xb]  }
0x20e: {  	[tilespmem:s13], [sflag:$0x1] =	stream.indirect.gather [hbm4b:s15+s22], $0x80, s6, s22, $0xb8;
	[tilespmem:$0x1D000] =	vst v63  }
0x20f: {  	s7 =	rddreg [dreg:$0xc]  }
0x210: {  	[tilespmem:s14], [sflag:$0x1] =	stream.indirect.gather [hbm4b:s15+s22], $0x80, s7, s22, $0xb8;
	[tilespmem:$0x1D000] =	vst v63  }
0x211: {  	s25 =	rddreg [dreg:$0xd]  }
0x212: {  	[tilespmem:s16], [sflag:$0x1] =	stream.indirect.gather [hbm4b:s15+s22], $0x80, s25, s22, $0xb8;
	[tilespmem:$0x1D000] =	vst v63  }
0x213: {  	s31 =	rddreg [dreg:$0xe]  }
0x214: {  	[tilespmem:s17], [sflag:$0x1] =	stream.indirect.gather [hbm4b:s15+s22], $0x80, s31, s22, $0xb8;
	[tilespmem:$0x1D000] =	vst v63  }
0x215: {  	s6 =	rddreg [dreg:$0xf]  }
0x216: {  	[tilespmem:s18], [sflag:$0x1] =	stream.indirect.gather [hbm4b:s15+s22], $0x80, s6, s22, $0xb8;
	[tilespmem:$0x1D000] =	vst v63  }
0x217: {  	s7 =	rddreg [dreg:$0x10]  }
0x218: {  	[tilespmem:s19], [sflag:$0x1] =	stream.indirect.gather [hbm4b:s15+s22], $0x80, s7, s22, $0xb8;
	[tilespmem:$0x1D000] =	vst v63  }
0x219: {  	s25 =	rddreg [dreg:$0x11]  }
0x21a: {  	[tilespmem:s20], [sflag:$0x1] =	stream.indirect.gather [hbm4b:s15+s22], $0x80, s25, s22, $0xb8;
	[tilespmem:$0x1D000] =	vst v63  }
0x21b: {  	s31 =	rddreg [dreg:$0x12]  }
0x21c: {  	[tilespmem:s21], [sflag:$0x1] =	stream.indirect.gather [hbm4b:s15+s22], $0x80, s31, s22, $0xb8;
	[tilespmem:$0x1D000] =	vst v63  }
0x21d: {  	_ =	swait.ge [sflag:s23], $0x1900  }
0x21e: {  	[sflag:s23] =	ssyncset.done $0x0  }
0x21f: {  	[sflag:s23] =	ssyncadd.s32 $0xFFFFE700  }
0x220: {  	_ =	swait.ge [sflag:s23], $0x1900  }
0x221: {  	[sflag:s23] =	ssyncset.done $0x0  }
0x222: {  	[sflag:s23] =	ssyncadd.s32 $0xFFFFE700  }
0x223: {  	_ =	swait.ge [sflag:s23], $0x1900  }
0x224: {  	[sflag:s23] =	ssyncset.done $0x0  }
0x225: {  	[sflag:s23] =	ssyncadd.s32 $0xFFFFE700  }
0x226: {  	_ =	swait.ge [sflag:s23], $0x1900  }
0x227: {  	[sflag:s23] =	ssyncset.done $0x0  }
0x228: {  	[sflag:s23] =	ssyncadd.s32 $0xFFFFE700  }
0x229: {  	_ =	swait.ge [sflag:s23], $0x1900  }
0x22a: {  	[sflag:s23] =	ssyncset.done $0x0  }
0x22b: {  	[sflag:s23] =	ssyncadd.s32 $0xFFFFE700  }
0x22c: {  	_ =	swait.ge [sflag:s23], $0x1900  }
0x22d: {  	[sflag:s23] =	ssyncset.done $0x0  }
0x22e: {  	[sflag:s23] =	ssyncadd.s32 $0xFFFFE700  }
0x22f: {  	_ =	swait.ge [sflag:s23], $0x1900  }
0x230: {  	[sflag:s23] =	ssyncset.done $0x0  }
0x231: {  	[sflag:s23] =	ssyncadd.s32 $0xFFFFE700  }
0x232: {  	_ =	swait.ge [sflag:s23], $0x1900  }
0x233: {  	[sflag:s23] =	ssyncset.done $0x0  }
0x234: {  	[sflag:s23] =	ssyncadd.s32 $0xFFFFE700  }
0x235: {  	_ =	swait.ge [sflag:s23], $0x1900  }
0x236: {  	[sflag:s23] =	ssyncset.done $0x0  }
0x237: {  	[sflag:s23] =	ssyncadd.s32 $0xFFFFE700  }
0x238: {  	_ =	swait.ge [sflag:s23], $0x1900  }
0x239: {  	[sflag:s23] =	ssyncset.done $0x0  }
0x23a: {  	[sflag:s23] =	ssyncadd.s32 $0xFFFFE700  }
0x23b: {  	_ =	swait.ge [sflag:s23], $0x1900  }
0x23c: {  	[sflag:s23] =	ssyncset.done $0x0  }
0x23d: {  	[sflag:s23] =	ssyncadd.s32 $0xFFFFE700  }
0x23e: {  	_ =	swait.ge [sflag:s23], $0x1900  }
0x23f: {  	[sflag:s23] =	ssyncset.done $0x0  }
0x240: {  	[sflag:s23] =	ssyncadd.s32 $0xFFFFE700  }
0x241: {  	_ =	swait.ge [sflag:s23], $0x1900  }
0x242: {  	[sflag:s23] =	ssyncset.done $0x0  }
0x243: {  	[sflag:s23] =	ssyncadd.s32 $0xFFFFE700  }
0x244: {  	_ =	swait.ge [sflag:s23], $0x1900  }
0x245: {  	[sflag:s23] =	ssyncset.done $0x0  }
0x246: {  	[sflag:s23] =	ssyncadd.s32 $0xFFFFE700  }
0x247: {  	_ =	swait.ge [sflag:s23], $0x1900  }
0x248: {  	[sflag:s23] =	ssyncset.done $0x0  }
0x249: {  	[sflag:s23] =	ssyncadd.s32 $0xFFFFE700  }
0x24a: {  	_ =	swait.ge [sflag:s23], $0x1900  }
0x24b: {  	[sflag:s23] =	ssyncset.done $0x0  }
0x24c: {  	[sflag:s23] =	ssyncadd.s32 $0xFFFFE700  }
0x24d: {  	[hbm4b:s30+s2] =	stream.linear.scatter [tilespmem:s29], [sflag:$0x2], $0x1900, $0x38;
	[tilespmem:$0x1D000] =	vst v63  }
0x24e: {  	s1 =	sadd.s32 $0x380, s30  }
0x24f: {  	[hbm4b:s1+s2] =	stream.linear.scatter [tilespmem:s3], [sflag:$0x2], $0x1900, $0x38;
	[tilespmem:$0x1D000] =	vst v63  }
0x250: {  	s6 =	sadd.s32 $0x700, s30  }
0x251: {  	[hbm4b:s6+s2] =	stream.linear.scatter [tilespmem:s5], [sflag:$0x2], $0x1900, $0x38;
	[tilespmem:$0x1D000] =	vst v63  }
0x252: {  	s7 =	sadd.s32 $0xA80, s30  }
0x253: {  	[hbm4b:s7+s2] =	stream.linear.scatter [tilespmem:s8], [sflag:$0x2], $0x1900, $0x38;
	[tilespmem:$0x1D000] =	vst v63  }
0x254: {  	s25 =	sadd.s32 $0xE00, s30  }
0x255: {  	[hbm4b:s25+s2] =	stream.linear.scatter [tilespmem:s9], [sflag:$0x2], $0x1900, $0x38;
	[tilespmem:$0x1D000] =	vst v63  }
0x256: {  	s31 =	sadd.s32 $0x1180, s30  }
0x257: {  	[hbm4b:s31+s2] =	stream.linear.scatter [tilespmem:s10], [sflag:$0x2], $0x1900, $0x38;
	[tilespmem:$0x1D000] =	vst v63  }
0x258: {  	s1 =	sadd.s32 $0x1500, s30  }
0x259: {  	[hbm4b:s1+s2] =	stream.linear.scatter [tilespmem:s11], [sflag:$0x2], $0x1900, $0x38;
	[tilespmem:$0x1D000] =	vst v63  }
0x25a: {  	s6 =	sadd.s32 $0x1880, s30  }
0x25b: {  	[hbm4b:s6+s2] =	stream.linear.scatter [tilespmem:s12], [sflag:$0x2], $0x1900, $0x38;
	[tilespmem:$0x1D000] =	vst v63  }
0x25c: {  	s7 =	sadd.s32 $0x1C00, s30  }
0x25d: {  	[hbm4b:s7+s2] =	stream.linear.scatter [tilespmem:s13], [sflag:$0x2], $0x1900, $0x38;
	[tilespmem:$0x1D000] =	vst v63  }
0x25e: {  	s25 =	sadd.s32 $0x1F80, s30  }
0x25f: {  	[hbm4b:s25+s2] =	stream.linear.scatter [tilespmem:s14], [sflag:$0x2], $0x1900, $0x38;
	[tilespmem:$0x1D000] =	vst v63  }
0x260: {  	s31 =	sadd.s32 $0x2300, s30  }
0x261: {  	[hbm4b:s31+s2] =	stream.linear.scatter [tilespmem:s16], [sflag:$0x2], $0x1900, $0x38;
	[tilespmem:$0x1D000] =	vst v63  }
0x262: {  	s1 =	sadd.s32 $0x2680, s30  }
0x263: {  	[hbm4b:s1+s2] =	stream.linear.scatter [tilespmem:s17], [sflag:$0x2], $0x1900, $0x38;
	[tilespmem:$0x1D000] =	vst v63  }
0x264: {  	s6 =	sadd.s32 $0x2A00, s30  }
0x265: {  	[hbm4b:s6+s2] =	stream.linear.scatter [tilespmem:s18], [sflag:$0x2], $0x1900, $0x38;
	[tilespmem:$0x1D000] =	vst v63  }
0x266: {  	s7 =	sadd.s32 $0x2D80, s30  }
0x267: {  	[hbm4b:s7+s2] =	stream.linear.scatter [tilespmem:s19], [sflag:$0x2], $0x1900, $0x38;
	[tilespmem:$0x1D000] =	vst v63  }
0x268: {  	s25 =	sadd.s32 $0x3100, s30  }
0x269: {  	[hbm4b:s25+s2] =	stream.linear.scatter [tilespmem:s20], [sflag:$0x2], $0x1900, $0x38;
	[tilespmem:$0x1D000] =	vst v63  }
0x26a: {  	s31 =	sadd.s32 $0x3480, s30  }
0x26b: {  	[hbm4b:s31+s2] =	stream.linear.scatter [tilespmem:s21], [sflag:$0x2], $0x1900, $0x38;
	[tilespmem:$0x1D000] =	vst v63  }
0x26c: {  	_ =	swait.ge [sflag:s4], $0x19000  }
0x26d: {  	s1 =	rddreg [dreg:$0x13];
	[sflag:s4] =	ssyncset.done $0x0  }
0x26e: {  	s6 =	rddreg [dreg:$0x14];
	[sflag:s4] =	ssyncadd.s32 $0xFFFE7000  }
0x26f: {  	[tilespmem:s29], [sflag:$0x1] =	stream.indirect.gather [hbm4b:s15+s22], $0x80, s1, s22, $0xb8;
	[tilespmem:$0x1D000] =	vst v63  }
0x270: {  	s7 =	rddreg [dreg:$0x15]  }
0x271: {  	[tilespmem:s3], [sflag:$0x1] =	stream.indirect.gather [hbm4b:s15+s22], $0x80, s6, s22, $0xb8;
	[tilespmem:$0x1D000] =	vst v63  }
0x272: {  	s25 =	rddreg [dreg:$0x16]  }
0x273: {  	[tilespmem:s5], [sflag:$0x1] =	stream.indirect.gather [hbm4b:s15+s22], $0x80, s7, s22, $0xb8;
	[tilespmem:$0x1D000] =	vst v63  }
0x274: {  	s30 =	rddreg [dreg:$0x17]  }
0x275: {  	[tilespmem:s8], [sflag:$0x1] =	stream.indirect.gather [hbm4b:s15+s22], $0x80, s25, s22, $0xb8;
	[tilespmem:$0x1D000] =	vst v63  }
0x276: {  	s31 =	rddreg [dreg:$0x18]  }
0x277: {  	[tilespmem:s9], [sflag:$0x1] =	stream.indirect.gather [hbm4b:s15+s22], $0x80, s30, s22, $0xb8;
	[tilespmem:$0x1D000] =	vst v63  }
0x278: {  	s6 =	rddreg [dreg:$0x19]  }
0x279: {  	[tilespmem:s10], [sflag:$0x1] =	stream.indirect.gather [hbm4b:s15+s22], $0x80, s31, s22, $0xb8;
	[tilespmem:$0x1D000] =	vst v63  }
0x27a: {  	s7 =	rddreg [dreg:$0x1a]  }
0x27b: {  	[tilespmem:s11], [sflag:$0x1] =	stream.indirect.gather [hbm4b:s15+s22], $0x80, s6, s22, $0xb8;
	[tilespmem:$0x1D000] =	vst v63  }
0x27c: {  	s25 =	rddreg [dreg:$0x1b]  }
0x27d: {  	[tilespmem:s12], [sflag:$0x1] =	stream.indirect.gather [hbm4b:s15+s22], $0x80, s7, s22, $0xb8;
	[tilespmem:$0x1D000] =	vst v63  }
0x27e: {  	s30 =	rddreg [dreg:$0x1c]  }
0x27f: {  	[tilespmem:s13], [sflag:$0x1] =	stream.indirect.gather [hbm4b:s15+s22], $0x80, s25, s22, $0xb8;
	[tilespmem:$0x1D000] =	vst v63  }
0x280: {  	s31 =	rddreg [dreg:$0x1d]  }
0x281: {  	[tilespmem:s14], [sflag:$0x1] =	stream.indirect.gather [hbm4b:s15+s22], $0x80, s30, s22, $0xb8;
	[tilespmem:$0x1D000] =	vst v63  }
0x282: {  	s6 =	rddreg [dreg:$0x1e]  }
0x283: {  	[tilespmem:s16], [sflag:$0x1] =	stream.indirect.gather [hbm4b:s15+s22], $0x80, s31, s22, $0xb8;
	[tilespmem:$0x1D000] =	vst v63  }
0x284: {  	s7 =	rddreg [dreg:$0x1f]  }
0x285: {  	[tilespmem:s17], [sflag:$0x1] =	stream.indirect.gather [hbm4b:s15+s22], $0x80, s6, s22, $0xb8;
	[tilespmem:$0x1D000] =	vst v63  }
0x286: {  	s25 =	sld [smem:$0x7FB]  }
0x287: {  	[tilespmem:s18], [sflag:$0x1] =	stream.indirect.gather [hbm4b:s15+s22], $0x80, s7, s22, $0xb8;
	[tilespmem:$0x1D000] =	vst v63  }
0x288: {  	s30 =	sld [smem:$0x7FC]  }
0x289: {  	[tilespmem:s19], [sflag:$0x1] =	stream.indirect.gather [hbm4b:s15+s22], $0x80, s25, s22, $0xb8;
	[tilespmem:$0x1D000] =	vst v63  }
0x28a: {  	s31 =	sld [smem:$0x7FD]  }
0x28b: {  	[tilespmem:s20], [sflag:$0x1] =	stream.indirect.gather [hbm4b:s15+s22], $0x80, s30, s22, $0xb8;
	[tilespmem:$0x1D000] =	vst v63  }
0x28c: {  	_ = 	snop  }
0x28d: {  	[tilespmem:s21], [sflag:$0x1] =	stream.indirect.gather [hbm4b:s15+s22], $0x80, s31, s22, $0xb8;
	[tilespmem:$0x1D000] =	vst v63  }
0x28e: {  	_ =	swait.ge [sflag:s23], $0x1900  }
0x28f: {  	[sflag:s23] =	ssyncset.done $0x0  }
0x290: {  	[sflag:s23] =	ssyncadd.s32 $0xFFFFE700  }
0x291: {  	_ =	swait.ge [sflag:s23], $0x1900  }
0x292: {  	[sflag:s23] =	ssyncset.done $0x0  }
0x293: {  	[sflag:s23] =	ssyncadd.s32 $0xFFFFE700  }
0x294: {  	_ =	swait.ge [sflag:s23], $0x1900  }
0x295: {  	[sflag:s23] =	ssyncset.done $0x0  }
0x296: {  	[sflag:s23] =	ssyncadd.s32 $0xFFFFE700  }
0x297: {  	_ =	swait.ge [sflag:s23], $0x1900  }
0x298: {  	[sflag:s23] =	ssyncset.done $0x0  }
0x299: {  	[sflag:s23] =	ssyncadd.s32 $0xFFFFE700  }
0x29a: {  	_ =	swait.ge [sflag:s23], $0x1900  }
0x29b: {  	[sflag:s23] =	ssyncset.done $0x0  }
0x29c: {  	[sflag:s23] =	ssyncadd.s32 $0xFFFFE700  }
0x29d: {  	_ =	swait.ge [sflag:s23], $0x1900  }
0x29e: {  	[sflag:s23] =	ssyncset.done $0x0  }
0x29f: {  	[sflag:s23] =	ssyncadd.s32 $0xFFFFE700  }
0x2a0: {  	_ =	swait.ge [sflag:s23], $0x1900  }
0x2a1: {  	[sflag:s23] =	ssyncset.done $0x0  }
0x2a2: {  	[sflag:s23] =	ssyncadd.s32 $0xFFFFE700  }
0x2a3: {  	_ =	swait.ge [sflag:s23], $0x1900  }
0x2a4: {  	[sflag:s23] =	ssyncset.done $0x0  }
0x2a5: {  	[sflag:s23] =	ssyncadd.s32 $0xFFFFE700  }
0x2a6: {  	_ =	swait.ge [sflag:s23], $0x1900  }
0x2a7: {  	[sflag:s23] =	ssyncset.done $0x0  }
0x2a8: {  	[sflag:s23] =	ssyncadd.s32 $0xFFFFE700  }
0x2a9: {  	_ =	swait.ge [sflag:s23], $0x1900  }
0x2aa: {  	[sflag:s23] =	ssyncset.done $0x0  }
0x2ab: {  	[sflag:s23] =	ssyncadd.s32 $0xFFFFE700  }
0x2ac: {  	_ =	swait.ge [sflag:s23], $0x1900  }
0x2ad: {  	[sflag:s23] =	ssyncset.done $0x0  }
0x2ae: {  	[sflag:s23] =	ssyncadd.s32 $0xFFFFE700  }
0x2af: {  	_ =	swait.ge [sflag:s23], $0x1900  }
0x2b0: {  	[sflag:s23] =	ssyncset.done $0x0  }
0x2b1: {  	[sflag:s23] =	ssyncadd.s32 $0xFFFFE700  }
0x2b2: {  	_ =	swait.ge [sflag:s23], $0x1900  }
0x2b3: {  	[sflag:s23] =	ssyncset.done $0x0  }
0x2b4: {  	[sflag:s23] =	ssyncadd.s32 $0xFFFFE700  }
0x2b5: {  	_ =	swait.ge [sflag:s23], $0x1900  }
0x2b6: {  	[sflag:s23] =	ssyncset.done $0x0  }
0x2b7: {  	[sflag:s23] =	ssyncadd.s32 $0xFFFFE700  }
0x2b8: {  	_ =	swait.ge [sflag:s23], $0x1900  }
0x2b9: {  	[sflag:s23] =	ssyncset.done $0x0  }
0x2ba: {  	[sflag:s23] =	ssyncadd.s32 $0xFFFFE700  }
0x2bb: {  	_ =	swait.ge [sflag:s23], $0x1900  }
0x2bc: {  	[sflag:s23] =	ssyncset.done $0x0  }
0x2bd: {  	[sflag:s23] =	ssyncadd.s32 $0xFFFFE700  }
0x2be: {  	[hbm4b:s28+s2] =	stream.linear.scatter [tilespmem:s29], [sflag:$0x2], $0x1900, $0x38;
	[tilespmem:$0x1D000] =	vst v63  }
0x2bf: {  	s1 =	sadd.s32 $0x380, s28  }
0x2c0: {  	[hbm4b:s1+s2] =	stream.linear.scatter [tilespmem:s3], [sflag:$0x2], $0x1900, $0x38;
	[tilespmem:$0x1D000] =	vst v63  }
0x2c1: {  	s6 =	sadd.s32 $0x700, s28  }
0x2c2: {  	[hbm4b:s6+s2] =	stream.linear.scatter [tilespmem:s5], [sflag:$0x2], $0x1900, $0x38;
	[tilespmem:$0x1D000] =	vst v63  }
0x2c3: {  	s7 =	sadd.s32 $0xA80, s28  }
0x2c4: {  	[hbm4b:s7+s2] =	stream.linear.scatter [tilespmem:s8], [sflag:$0x2], $0x1900, $0x38;
	[tilespmem:$0x1D000] =	vst v63  }
0x2c5: {  	s8 =	sadd.s32 $0xE00, s28  }
0x2c6: {  	[hbm4b:s8+s2] =	stream.linear.scatter [tilespmem:s9], [sflag:$0x2], $0x1900, $0x38;
	[tilespmem:$0x1D000] =	vst v63  }
0x2c7: {  	s9 =	sadd.s32 $0x1180, s28  }
0x2c8: {  	[hbm4b:s9+s2] =	stream.linear.scatter [tilespmem:s10], [sflag:$0x2], $0x1900, $0x38;
	[tilespmem:$0x1D000] =	vst v63  }
0x2c9: {  	s10 =	sadd.s32 $0x1500, s28  }
0x2ca: {  	[hbm4b:s10+s2] =	stream.linear.scatter [tilespmem:s11], [sflag:$0x2], $0x1900, $0x38;
	[tilespmem:$0x1D000] =	vst v63  }
0x2cb: {  	s11 =	sadd.s32 $0x1880, s28  }
0x2cc: {  	[hbm4b:s11+s2] =	stream.linear.scatter [tilespmem:s12], [sflag:$0x2], $0x1900, $0x38;
	[tilespmem:$0x1D000] =	vst v63  }
0x2cd: {  	s12 =	sadd.s32 $0x1C00, s28  }
0x2ce: {  	[hbm4b:s12+s2] =	stream.linear.scatter [tilespmem:s13], [sflag:$0x2], $0x1900, $0x38;
	[tilespmem:$0x1D000] =	vst v63  }
0x2cf: {  	s15 =	sadd.s32 $0x1F80, s28  }
0x2d0: {  	[hbm4b:s15+s2] =	stream.linear.scatter [tilespmem:s14], [sflag:$0x2], $0x1900, $0x38;
	[tilespmem:$0x1D000] =	vst v63  }
0x2d1: {  	s22 =	sadd.s32 $0x2300, s28  }
0x2d2: {  	[hbm4b:s22+s2] =	stream.linear.scatter [tilespmem:s16], [sflag:$0x2], $0x1900, $0x38;
	[tilespmem:$0x1D000] =	vst v63  }
0x2d3: {  	s23 =	sadd.s32 $0x2680, s28  }
0x2d4: {  	[hbm4b:s23+s2] =	stream.linear.scatter [tilespmem:s17], [sflag:$0x2], $0x1900, $0x38;
	[tilespmem:$0x1D000] =	vst v63  }
0x2d5: {  	s25 =	sadd.s32 $0x2A00, s28  }
0x2d6: {  	[hbm4b:s25+s2] =	stream.linear.scatter [tilespmem:s18], [sflag:$0x2], $0x1900, $0x38;
	[tilespmem:$0x1D000] =	vst v63  }
0x2d7: {  	s29 =	sadd.s32 $0x2D80, s28  }
0x2d8: {  	[hbm4b:s29+s2] =	stream.linear.scatter [tilespmem:s19], [sflag:$0x2], $0x1900, $0x38;
	[tilespmem:$0x1D000] =	vst v63  }
0x2d9: {  	s30 =	sadd.s32 $0x3100, s28  }
0x2da: {  	[hbm4b:s30+s2] =	stream.linear.scatter [tilespmem:s20], [sflag:$0x2], $0x1900, $0x38;
	[tilespmem:$0x1D000] =	vst v63  }
0x2db: {  	s31 =	sadd.s32 $0x3480, s28  }
0x2dc: {  	[hbm4b:s31+s2] =	stream.linear.scatter [tilespmem:s21], [sflag:$0x2], $0x1900, $0x38;
	[tilespmem:$0x1D000] =	vst v63  }
0x2dd: {  	_ =	swait.ge [sflag:s4], $0x19000  }
0x2de: {  	[sflag:s4] =	ssyncset.done $0x0  }
0x2df: {  	[sflag:s4] =	ssyncadd.s32 $0xFFFE7000  }
0x2e0: {  	_ =	sfence.sel $0x180000  }
0x2e1: {  	[bflag:$0x0] =	sbarrier.arrive $0xFFFF  }
0x2e2: {  	p0 =	sne.s32 s24, $0x0;
	_ =	strace $0x90000047  }
0x2e3: {  	s0 =	sadd.s32 @!p0 $0x100000, s26;
	[bflag:$0x2] =	sbarrier.arrive $0xFFFF  }
0x2e4: {  	[sflag:s0] =	ssyncadd.tile.s32 @!p0 $0x1;
	_ =	shalt  }
.LBB2_2:
.Ltmp3:
0x2e5: {  	(pc) =	sbr.rel .LBB2_5-.Ltmp3, $3  }
0x2e6: {  	_ =	sdelay $0x1  }
0x2e7: {  	s24 =	stileid.u32  }
0x2e8: {  	s26 =	rddreg [dreg:$0x2];
	s3 =	simm.s32 $0x2C00;
	s5 =	simm.s32 $0x4800  }
.Lfunc_end2:
_tile_overlayer_lowered:
.L_overlay_start_2:
0x2e9: {  	(tag) =	ssettag $0x2  }
0x2ea: {  	s0 =	rddreg [dreg:$0x0];
	s2 =	stileid.u32  }
0x2eb: {  	s1 =	rddreg [dreg:$0x1];
	p0 =	sne.s32 s2, $0x0  }
0x2ec: {  	s3 =	rddreg [dreg:$0x2];
	[bflag:$0x3] =	sbarrier.arrive $0xFFFF;
	s2 =	simm.s32 @!p0 $0x1C02  }
0x2ed: {  	[timem:s3], [sflag:s2] =	dma.local @!p0 [hbm:s0], s1  }
0x2ee: {  	s0 =	simm.s32 @!p0 $0x2  }
0x2ef: {  	_ =	swait.ge @!p0 [sflag:s0], s1  }
0x2f0: {  	s1 =	ssub.s32 @!p0 $0x0, s1;
	[sflag:s0] =	ssyncset.done @!p0 $0x0  }
0x2f1: {  	[sflag:s0] =	ssyncadd.s32 @!p0 s1  }
0x2f2: {  	[bflag:$0x3] =	sbarrier.arrive $0xFFFF  }
0x2f3: {  	_ =	shalt  }

</sc_bundles>
